<compile_context>
chip_gen: v7x
topology: tpu7x:2x2x1
jax: 0.10.2.dev20260603
libtpu: 0.0.44.dev20260713+nightly
codegen_flags: <defaults>
</compile_context>

<pallas_src>
import jax
import jax.numpy as jnp
from jax import lax
from jax.experimental import pallas as pl

B = 8
N = 2048
DIM = 192
S = 256
K = 32
H = 6
HD = DIM // H
MH = 768
SCALE = HD ** -0.5
F32 = jnp.float32
HIGHEST = lax.Precision.HIGHEST
BR = 256
NB = N // BR


def _ln(x, w, b, eps=1e-5):
    mu = jnp.mean(x, axis=-1, keepdims=True)
    var = jnp.mean((x - mu) ** 2, axis=-1, keepdims=True)
    return (x - mu) / jnp.sqrt(var + eps) * w + b


def _prep_kernel(x_ref, n1w_ref, n1b_ref, sw_ref, sb_ref, Wkv_ref, bkv_ref,
                 xln_ref, ts_ref, kv_ref):
    xln = _ln(x_ref[0], n1w_ref[:], n1b_ref[:])
    xln_ref[0] = xln
    ts_ref[0] = jnp.dot(xln, sw_ref[:], preferred_element_type=F32) + sb_ref[0]
    kv_ref[0] = jnp.dot(xln, Wkv_ref[:], preferred_element_type=F32) + bkv_ref[:]


def _density_kernel(dmn_ref, nn_ref, rmax_ref):
    dmn = dmn_ref[0]
    rmax_ref[0] = jnp.max(dmn, axis=1, keepdims=True)
    jj = lax.broadcasted_iota(jnp.int32, (BR, N), 1)
    kk = lax.broadcasted_iota(jnp.int32, (BR, K), 1)

    def body(k, carry):
        cur, acc = carry
        m = jnp.min(cur, axis=1, keepdims=True)
        idx = jnp.min(jnp.where(cur == m, jj, N), axis=1, keepdims=True)
        cur = jnp.where(jj == idx, jnp.inf, cur)
        acc = acc + m * (kk == k).astype(F32)
        return cur, acc

    _, nn = lax.fori_loop(0, K, body, (dmn, jnp.zeros((BR, K), F32)))
    nn_ref[0] = nn


def _score_kernel(dmn_ref, densr_ref, densc_ref, rmaxc_ref, score_ref):
    dmn = dmn_ref[0]
    dist_max = jnp.max(rmaxc_ref[0])
    masked = jnp.where(densc_ref[0] > densr_ref[0], dmn, jnp.inf)
    md = jnp.min(masked, axis=1, keepdims=True)
    dist = jnp.minimum(md, dist_max)
    score_ref[0] = dist * densr_ref[0]


def _rank_kernel(scr_ref, scc_ref, rank_ref):
    r = pl.program_id(1)
    jj = lax.broadcasted_iota(jnp.int32, (BR, N), 1)
    ii = lax.broadcasted_iota(jnp.int32, (BR, N), 0) + r * BR
    beats = (scc_ref[0] > scr_ref[0]) | ((scc_ref[0] == scr_ref[0]) & (jj < ii))
    rank_ref[0] = jnp.sum(beats.astype(F32), axis=1, keepdims=True)


def _select_kernel(rankc_ref, idx_ref):
    pr = lax.broadcasted_iota(jnp.int32, (S, N), 0).astype(F32)
    oh = (rankc_ref[0] == pr).astype(F32)
    nn = lax.broadcasted_iota(jnp.int32, (S, N), 1).astype(F32)
    idx_ref[0] = jnp.sum(oh * nn, axis=1, keepdims=True)


def _merge_kernel(xln_ref, rankc_ref, dmd_ref, ts_ref, Wq_ref, bq_ref,
                  merged_ref, q_ref):
    xln = xln_ref[0]
    rank_c = rankc_ref[0]
    dmd = dmd_ref[0]
    pr = lax.broadcasted_iota(jnp.int32, (S, N), 0).astype(F32)
    mn = jnp.min(dmd, axis=0, keepdims=True)
    idxm = jnp.min(jnp.where(dmd == mn, pr, float(S)), axis=0, keepdims=True)
    idx_cluster = jnp.where(rank_c < S, rank_c, idxm)

    oh2 = (idx_cluster == pr).astype(F32)
    tw = jnp.exp(ts_ref[0])
    aw = jnp.dot(oh2, tw, precision=HIGHEST,
                 preferred_element_type=F32) + 1e-6
    awt = lax.dot_general(oh2, aw, (((0,), (0,)), ((), ())),
                          precision=HIGHEST, preferred_element_type=F32)
    merged = jnp.dot(oh2, xln * (tw / awt), precision=HIGHEST,
                     preferred_element_type=F32)
    merged_ref[0] = merged
    q_ref[0] = jnp.dot(merged, Wq_ref[:], preferred_element_type=F32) + bq_ref[:]


def _attn_kernel(q_ref, k_ref, v_ref, tsc_ref, out_ref):
    logits = lax.dot_general(q_ref[0, 0], k_ref[0, 0], (((1,), (1,)), ((), ())),
                             preferred_element_type=F32) * SCALE + tsc_ref[0]
    m = jnp.max(logits, axis=1, keepdims=True)
    p = jnp.exp(logits - m)
    p = p / jnp.sum(p, axis=1, keepdims=True)
    out_ref[0, 0] = jnp.dot(p, v_ref[0, 0], preferred_element_type=F32)


def _epi_kernel(merged_ref, attn_ref, Wp_ref, bp_ref, n2w_ref, n2b_ref,
                W1_ref, b1_ref, W2_ref, b2_ref, out_ref):
    attn = jnp.dot(attn_ref[0], Wp_ref[:], preferred_element_type=F32) + bp_ref[:]
    feature = merged_ref[0] + attn
    h = _ln(feature, n2w_ref[:], n2b_ref[:])
    pre = jnp.dot(h, W1_ref[:], preferred_element_type=F32) + b1_ref[:]
    h = pre * 0.5 * (1.0 + lax.erf(pre * (2.0 ** -0.5)))
    out_ref[0] = feature + jnp.dot(h, W2_ref[:], preferred_element_type=F32) + b2_ref[:]


def _full(shape, ngrid):
    nd = len(shape)
    if ngrid == 1:
        return pl.BlockSpec(shape, lambda b, _n=nd: (0,) * _n)
    return pl.BlockSpec(shape, lambda b, r, _n=nd: (0,) * _n)


def kernel(x, norm1_w, norm1_b, score_w, score_b, Wq, bq, Wkv, bkv,
           Wproj, bproj, norm2_w, norm2_b, W1, b1, W2, b2):
    xf = _ln(x, norm1_w, norm1_b)
    sq = jnp.sum(xf * xf, axis=-1)
    d2 = sq[:, :, None] + sq[:, None, :] - 2.0 * jnp.einsum("bnd,bmd->bnm", xf, xf)
    dmn = jnp.sqrt(jnp.maximum(d2, 0.0)) / (DIM ** 0.5)

    noise = jax.random.uniform(jax.random.key(42), (B, N), dtype=F32) * 1e-6

    xln, ts, kv = pl.pallas_call(
        _prep_kernel,
        grid=(B,),
        in_specs=[pl.BlockSpec((1, N, DIM), lambda b: (b, 0, 0))]
        + [_full(w.shape, 1) for w in (norm1_w, norm1_b, score_w, score_b, Wkv, bkv)],
        out_specs=[pl.BlockSpec((1, N, DIM), lambda b: (b, 0, 0)),
                   pl.BlockSpec((1, N, 1), lambda b: (b, 0, 0)),
                   pl.BlockSpec((1, N, 2 * DIM), lambda b: (b, 0, 0))],
        out_shape=[jax.ShapeDtypeStruct((B, N, DIM), F32),
                   jax.ShapeDtypeStruct((B, N, 1), F32),
                   jax.ShapeDtypeStruct((B, N, 2 * DIM), F32)],
    )(x, norm1_w, norm1_b, score_w, score_b, Wkv, bkv)

    rowd = pl.BlockSpec((1, BR, N), lambda b, r: (b, r, 0))
    row = pl.BlockSpec((1, BR, 1), lambda b, r: (b, r, 0))
    colv = pl.BlockSpec((1, 1, N), lambda b, r: (b, 0, 0))
    outrow = pl.BlockSpec((1, BR, 1), lambda b, r: (b, r, 0))

    nn, rmax = pl.pallas_call(
        _density_kernel,
        grid=(B, NB),
        in_specs=[rowd],
        out_specs=[pl.BlockSpec((1, BR, K), lambda b, r: (b, r, 0)), outrow],
        out_shape=[jax.ShapeDtypeStruct((B, N, K), F32),
                   jax.ShapeDtypeStruct((B, N, 1), F32)],
    )(dmn)
    density = (jnp.exp(-jnp.mean(nn ** 2, axis=-1)) + noise).reshape(B, N, 1)

    score = pl.pallas_call(
        _score_kernel,
        grid=(B, NB),
        in_specs=[rowd, row, colv, colv],
        out_specs=outrow,
        out_shape=jax.ShapeDtypeStruct((B, N, 1), F32),
    )(dmn, density, density.reshape(B, 1, N), rmax.reshape(B, 1, N))

    rank = pl.pallas_call(
        _rank_kernel,
        grid=(B, NB),
        in_specs=[row, colv],
        out_specs=outrow,
        out_shape=jax.ShapeDtypeStruct((B, N, 1), F32),
    )(score, score.reshape(B, 1, N))
    rank_c = rank.reshape(B, 1, N)

    idx_f = pl.pallas_call(
        _select_kernel,
        grid=(B,),
        in_specs=[pl.BlockSpec((1, 1, N), lambda b: (b, 0, 0))],
        out_specs=pl.BlockSpec((1, S, 1), lambda b: (b, 0, 0)),
        out_shape=jax.ShapeDtypeStruct((B, S, 1), F32),
    )(rank_c)
    index_down = idx_f[..., 0].astype(jnp.int32)
    dmd = jnp.take_along_axis(
        dmn, index_down[:, :, None].astype(jnp.int32), axis=1)

    merged, q = pl.pallas_call(
        _merge_kernel,
        grid=(B,),
        in_specs=[pl.BlockSpec((1, N, DIM), lambda b: (b, 0, 0)),
                  pl.BlockSpec((1, 1, N), lambda b: (b, 0, 0)),
                  pl.BlockSpec((1, S, N), lambda b: (b, 0, 0)),
                  pl.BlockSpec((1, N, 1), lambda b: (b, 0, 0)),
                  _full(Wq.shape, 1), _full(bq.shape, 1)],
        out_specs=[pl.BlockSpec((1, S, DIM), lambda b: (b, 0, 0)),
                   pl.BlockSpec((1, S, DIM), lambda b: (b, 0, 0))],
        out_shape=[jax.ShapeDtypeStruct((B, S, DIM), F32),
                   jax.ShapeDtypeStruct((B, S, DIM), F32)],
    )(xln, rank_c, dmd, ts, Wq, bq)

    q4 = q.reshape(B, S, H, HD).transpose(0, 2, 1, 3)
    k4 = kv[..., :DIM].reshape(B, N, H, HD).transpose(0, 2, 1, 3)
    v4 = kv[..., DIM:].reshape(B, N, H, HD).transpose(0, 2, 1, 3)
    attn_h = pl.pallas_call(
        _attn_kernel,
        grid=(B, H),
        in_specs=[pl.BlockSpec((1, 1, S, HD), lambda b, h: (b, h, 0, 0)),
                  pl.BlockSpec((1, 1, N, HD), lambda b, h: (b, h, 0, 0)),
                  pl.BlockSpec((1, 1, N, HD), lambda b, h: (b, h, 0, 0)),
                  pl.BlockSpec((1, 1, N), lambda b, h: (b, 0, 0))],
        out_specs=pl.BlockSpec((1, 1, S, HD), lambda b, h: (b, h, 0, 0)),
        out_shape=jax.ShapeDtypeStruct((B, H, S, HD), F32),
    )(q4, k4, v4, ts.reshape(B, 1, N))

    attn = attn_h.transpose(0, 2, 1, 3).reshape(B, S, DIM)

    return pl.pallas_call(
        _epi_kernel,
        grid=(B,),
        in_specs=[pl.BlockSpec((1, S, DIM), lambda b: (b, 0, 0)),
                  pl.BlockSpec((1, S, DIM), lambda b: (b, 0, 0))]
        + [_full(w.shape, 1) for w in (Wproj, bproj, norm2_w, norm2_b, W1, b1, W2, b2)],
        out_specs=pl.BlockSpec((1, S, DIM), lambda b: (b, 0, 0)),
        out_shape=jax.ShapeDtypeStruct((B, S, DIM), F32),
    )(merged, attn, Wproj, bproj, norm2_w, norm2_b, W1, b1, W2, b2)

# --- scband reference (transcript-rebuilt; emitter-appended) ---
"""Pipeline reference for scband-stmblock-13176959664590 (READ-ONLY COPY).

The authoritative reference and input builder live on the scoring server;
editing this copy changes nothing except your own understanding.
"""

import jax, jax.numpy as jnp
import numpy as np

B = 8
N = 2048
DIM = 192
OUT_TOKEN_LEN = 256
K = 32
NUM_HEADS = 6
MLP_HIDDEN = 768
HEAD_DIM = DIM // NUM_HEADS
SCALE = HEAD_DIM ** -0.5


def setup_inputs(seed: int = 0):
    key = jax.random.key(seed)
    ks = jax.random.split(key, 8)
    s = 0.02
    return {
        "x": jax.random.normal(ks[0], (B, N, DIM), dtype=jnp.float32),
        "norm1_w": jnp.ones((DIM,), jnp.float32),
        "norm1_b": jnp.zeros((DIM,), jnp.float32),
        "score_w": jax.random.normal(ks[1], (DIM, 1), dtype=jnp.float32) * s,
        "score_b": jnp.zeros((1,), jnp.float32),
        "Wq": jax.random.normal(ks[2], (DIM, DIM), dtype=jnp.float32) * s,
        "bq": jnp.zeros((DIM,), jnp.float32),
        "Wkv": jax.random.normal(ks[3], (DIM, 2 * DIM), dtype=jnp.float32) * s,
        "bkv": jnp.zeros((2 * DIM,), jnp.float32),
        "Wproj": jax.random.normal(ks[4], (DIM, DIM), dtype=jnp.float32) * s,
        "bproj": jnp.zeros((DIM,), jnp.float32),
        "norm2_w": jnp.ones((DIM,), jnp.float32),
        "norm2_b": jnp.zeros((DIM,), jnp.float32),
        "W1": jax.random.normal(ks[5], (DIM, MLP_HIDDEN), dtype=jnp.float32) * s,
        "b1": jnp.zeros((MLP_HIDDEN,), jnp.float32),
        "W2": jax.random.normal(ks[6], (MLP_HIDDEN, DIM), dtype=jnp.float32) * s,
        "b2": jnp.zeros((DIM,), jnp.float32),
    }


def _layernorm(x, w, b, eps=1e-5):
    mu = jnp.mean(x, axis=-1, keepdims=True)
    var = jnp.mean((x - mu) ** 2, axis=-1, keepdims=True)
    return (x - mu) / jnp.sqrt(var + eps) * w + b


def _cdist(x):
    sq = jnp.sum(x * x, axis=-1)
    d2 = sq[:, :, None] + sq[:, None, :] - 2.0 * jnp.einsum("bnd,bmd->bnm", x, x)
    return jnp.sqrt(jnp.maximum(d2, 0.0))


def _cluster(feature):
    feature = jax.lax.stop_gradient(feature)
    dm = _cdist(feature) / (DIM ** 0.5)
    neg_near, _ = jax.lax.top_k(-dm, K)
    distance_nearest = -neg_near
    density = jnp.exp(-jnp.mean(distance_nearest ** 2, axis=-1))
    noise = jax.random.uniform(jax.random.key(42), density.shape, dtype=density.dtype) * 1e-6
    density = density + noise
    mask = (density[:, None, :] > density[:, :, None]).astype(feature.dtype)
    dist_max = jnp.max(dm.reshape(B, -1), axis=-1)[:, None, None]
    dist = jnp.min(dm * mask + dist_max * (1.0 - mask), axis=-1)
    score = dist * density
    _, index_down = jax.lax.top_k(score, OUT_TOKEN_LEN)
    idx_full = jnp.broadcast_to(index_down[:, :, None], (B, OUT_TOKEN_LEN, N))
    dm_down = jnp.take_along_axis(dm, idx_full, axis=1)
    idx_cluster = jnp.argmin(dm_down, axis=1)
    idx_cluster = idx_cluster.at[jnp.arange(B)[:, None], index_down].set(
        jnp.broadcast_to(jnp.arange(OUT_TOKEN_LEN, dtype=idx_cluster.dtype)[None, :], (B, OUT_TOKEN_LEN)))
    return idx_cluster


def _merger(feature, idx_cluster, token_score):
    idx = (idx_cluster + jnp.arange(B)[:, None] * OUT_TOKEN_LEN).reshape(-1)
    token_weight = jnp.exp(token_score)
    all_weight = jnp.zeros((B * OUT_TOKEN_LEN, 1), feature.dtype).at[idx].add(token_weight.reshape(-1, 1))
    all_weight = all_weight + 1e-6
    norm_weight = token_weight / all_weight[idx].reshape(B, N, 1)
    source = (feature * norm_weight).reshape(-1, DIM)
    merged = jnp.zeros((B * OUT_TOKEN_LEN, DIM), feature.dtype).at[idx].add(source)
    return merged.reshape(B, OUT_TOKEN_LEN, DIM)


def _attention(q_input, kv_input, token_score, Wq, bq, Wkv, bkv, Wproj, bproj):
    q = (q_input @ Wq + bq).reshape(B, OUT_TOKEN_LEN, NUM_HEADS, HEAD_DIM).transpose(0, 2, 1, 3)
    kv = kv_input @ Wkv + bkv
    k = kv[..., :DIM].reshape(B, N, NUM_HEADS, HEAD_DIM).transpose(0, 2, 1, 3)
    v = kv[..., DIM:].reshape(B, N, NUM_HEADS, HEAD_DIM).transpose(0, 2, 1, 3)
    attn = jnp.einsum("bhsd,bhnd->bhsn", q, k) * SCALE
    attn = attn + token_score.reshape(B, 1, 1, N)
    attn = jax.nn.softmax(attn, axis=-1)
    out = jnp.einsum("bhsn,bhnd->bhsd", attn, v).transpose(0, 2, 1, 3).reshape(B, OUT_TOKEN_LEN, DIM)
    return out @ Wproj + bproj


def _forward(x, norm1_w, norm1_b, score_w, score_b, Wq, bq, Wkv, bkv, Wproj, bproj, norm2_w, norm2_b, W1, b1, W2, b2):
    x = _layernorm(x, norm1_w, norm1_b)
    token_score = x @ score_w + score_b
    idx_cluster = _cluster(x)
    q_input = _merger(x, idx_cluster, token_score)
    attn = _attention(q_input, x, token_score, Wq, bq, Wkv, bkv, Wproj, bproj)
    feature = q_input + attn
    h = _layernorm(feature, norm2_w, norm2_b)
    h = jax.nn.gelu(h @ W1 + b1, approximate=False) @ W2 + b2
    return feature + h


def reference(x, norm1_w, norm1_b, score_w, score_b, Wq, bq, Wkv, bkv, Wproj, bproj, norm2_w, norm2_b, W1, b1, W2, b2):
    return _forward(x, norm1_w, norm1_b, score_w, score_b, Wq, bq, Wkv, bkv, Wproj, bproj, norm2_w, norm2_b, W1, b1, W2, b2)

if __name__ == "__main__":
    import jax
    _d = setup_inputs()
    print(jax.jit(kernel)(*tuple(_d.values())))

</pallas_src>

<mosaic_0001>
module attributes {stable_mosaic.version = 14 : i64} {
  func.func @_density_kernel(%arg0: i32, %arg1: i32, %arg2: memref<1x256x2048xf32, #tpu.memory_space<vmem>>, %arg3: memref<1x256x32xf32, #tpu.memory_space<vmem>>, %arg4: memref<1x256x1xf32, #tpu.memory_space<vmem>>) attributes {dimension_semantics = [#tpu.dimension_semantics<arbitrary>, #tpu.dimension_semantics<arbitrary>], iteration_bounds = array<i64: 8, 8>, scalar_prefetch = 0 : i64, scratch_operands = 0 : i64, tpu.core_type = #tpu.core_type<tc>, window_params = [{transform_indices = @transform_0, window_bounds = array<i64: 1, 256, 2048>}, {transform_indices = @transform_1, window_bounds = array<i64: 1, 256, 32>}, {transform_indices = @transform_2, window_bounds = array<i64: 1, 256, 1>}]} {
    %get3A = arith.constant 0 : index
    %get3A_0 = arith.constant 0 : index
    %get3A_1 = arith.constant 0 : index
    %get3A_2 = vector.load %arg2[%get3A, %get3A_0, %get3A_1] : memref<1x256x2048xf32, #tpu.memory_space<vmem>>, vector<1x256x2048xf32>
    %get3A_3 = vector.shape_cast %get3A_2 : vector<1x256x2048xf32> to vector<256x2048xf32>
    %reduce_max3A = arith.constant dense<0xFF800000> : vector<256xf32>
    %reduce_max3A_4 = vector.multi_reduction <maximumf>, %get3A_3, %reduce_max3A [1] : vector<256x2048xf32> to vector<256xf32>
    %broadcast_in_dim3A = vector.shape_cast %reduce_max3A_4 : vector<256xf32> to vector<256x1xf32>
    %swap3A = arith.constant 0 : index
    %swap3A_5 = arith.constant 0 : index
    %swap3A_6 = arith.constant 0 : index
    %swap3A_7 = vector.load %arg4[%swap3A, %swap3A_5, %swap3A_6] : memref<1x256x1xf32, #tpu.memory_space<vmem>>, vector<1x256x1xf32>
    %swap3A_8 = vector.shape_cast %swap3A_7 : vector<1x256x1xf32> to vector<256x1xf32>
    %swap3A_9 = vector.shape_cast %broadcast_in_dim3A : vector<256x1xf32> to vector<1x256x1xf32>
    tpu.vector_store %arg4[%swap3A, %swap3A_5, %swap3A_6], %swap3A_9 {strides = array<i32>} : memref<1x256x1xf32, #tpu.memory_space<vmem>>, vector<1x256x1xf32>,
    %iota3A = tpu.iota {dimensions = array<i32: 1>} : vector<256x2048xi32>
    %iota3A_10 = tpu.iota {dimensions = array<i32: 1>} : vector<256x32xi32>
    %broadcast_in_dim3A_11 = arith.constant 0.000000e+00 : f32
    %broadcast_in_dim3A_12 = vector.broadcast %broadcast_in_dim3A_11 : f32 to vector<256x32xf32>
    %scan3A = arith.constant 0 : i32
    %scan3A_13 = arith.constant 32 : i32
    %scan3A_14 = arith.addi %scan3A, %scan3A_13 : i32
    %scan3A_15 = arith.constant 1 : i32
    %scan3A_16:2 = scf.for %scan3A_24 = %scan3A to %scan3A_14 step %scan3A_15 iter_args(%scan3A_25 = %get3A_3, %scan3A_26 = %broadcast_in_dim3A_12) -> (vector<256x2048xf32>, vector<256x32xf32>)  : i32 {
      %reduce_min3A = arith.constant dense<0x7F800000> : vector<256xf32>
      %reduce_min3A_27 = vector.multi_reduction <minimumf>, %scan3A_25, %reduce_min3A [1] : vector<256x2048xf32> to vector<256xf32>
      %broadcast_in_dim3A_28 = vector.shape_cast %reduce_min3A_27 : vector<256xf32> to vector<256x1xf32>
      %eq3A = vector.broadcast %broadcast_in_dim3A_28 : vector<256x1xf32> to vector<256x2048xf32>
      %eq3A_29 = arith.cmpf oeq, %scan3A_25, %eq3A : vector<256x2048xf32>
      %jit3A = arith.constant 2048 : i32
      %broadcast_in_dim3A_30 = vector.broadcast %jit3A : i32 to vector<256x2048xi32>
      %select_n3A = arith.select %eq3A_29, %iota3A, %broadcast_in_dim3A_30 : vector<256x2048xi1>, vector<256x2048xi32>
      %reduce_min3A_31 = arith.constant dense<2147483647> : vector<256xi32>
      %reduce_min3A_32 = vector.multi_reduction <minsi>, %select_n3A, %reduce_min3A_31 [1] : vector<256x2048xi32> to vector<256xi32>
      %broadcast_in_dim3A_33 = vector.shape_cast %reduce_min3A_32 : vector<256xi32> to vector<256x1xi32>
      %eq3A_34 = vector.broadcast %broadcast_in_dim3A_33 : vector<256x1xi32> to vector<256x2048xi32>
      %eq3A_35 = arith.cmpi eq, %iota3A, %eq3A_34 : vector<256x2048xi32>
      %jit3A_36 = arith.constant 0x7F800000 : f32
      %broadcast_in_dim3A_37 = vector.broadcast %jit3A_36 : f32 to vector<256x2048xf32>
      %select_n3A_38 = arith.select %eq3A_35, %broadcast_in_dim3A_37, %scan3A_25 : vector<256x2048xi1>, vector<256x2048xf32>
      %eq3A_39 = vector.broadcast %scan3A_24 : i32 to vector<256x32xi32>
      %eq3A_40 = arith.cmpi eq, %iota3A_10, %eq3A_39 : vector<256x32xi32>
      %convert_element_type3A = arith.extui %eq3A_40 : vector<256x32xi1> to vector<256x32xi32>
      %convert_element_type3A_41 = arith.sitofp %convert_element_type3A : vector<256x32xi32> to vector<256x32xf32>
      %mul3A = vector.broadcast %broadcast_in_dim3A_28 : vector<256x1xf32> to vector<256x32xf32>
      %mul3A_42 = arith.mulf %mul3A, %convert_element_type3A_41 : vector<256x32xf32>
      %add3A = arith.addf %scan3A_26, %mul3A_42 : vector<256x32xf32>
      scf.yield %select_n3A_38, %add3A : vector<256x2048xf32>, vector<256x32xf32>
    }
    %scan3A_17 = arith.constant 32 : i32
    %swap3A_18 = arith.constant 0 : index
    %swap3A_19 = arith.constant 0 : index
    %swap3A_20 = arith.constant 0 : index
    %swap3A_21 = vector.load %arg3[%swap3A_18, %swap3A_19, %swap3A_20] : memref<1x256x32xf32, #tpu.memory_space<vmem>>, vector<1x256x32xf32>
    %swap3A_22 = vector.shape_cast %swap3A_21 : vector<1x256x32xf32> to vector<256x32xf32>
    %swap3A_23 = vector.shape_cast %scan3A_16#1 : vector<256x32xf32> to vector<1x256x32xf32>
    tpu.vector_store %arg3[%swap3A_18, %swap3A_19, %swap3A_20], %swap3A_23 {strides = array<i32>} : memref<1x256x32xf32, #tpu.memory_space<vmem>>, vector<1x256x32xf32>,
    return
  }
  func.func @transform_0(%arg0: i32, %arg1: i32) -> (i32, i32, i32) {
    %c0_i32 = arith.constant 0 : i32
    %c0_i32_0 = arith.constant 0 : i32
    return %arg0, %arg1, %c0_i32 : i32, i32, i32
  }
  func.func @transform_1(%arg0: i32, %arg1: i32) -> (i32, i32, i32) {
    %c0_i32 = arith.constant 0 : i32
    %c0_i32_0 = arith.constant 0 : i32
    return %arg0, %arg1, %c0_i32 : i32, i32, i32
  }
  func.func @transform_2(%arg0: i32, %arg1: i32) -> (i32, i32, i32) {
    %c0_i32 = arith.constant 0 : i32
    %c0_i32_0 = arith.constant 0 : i32
    return %arg0, %arg1, %c0_i32 : i32, i32, i32
  }
}

module attributes {stable_mosaic.version = 14 : i64} {
  func.func @_score_kernel(%arg0: i32, %arg1: i32, %arg2: memref<1x256x2048xf32, #tpu.memory_space<vmem>>, %arg3: memref<1x256x1xf32, #tpu.memory_space<vmem>>, %arg4: memref<1x1x2048xf32, #tpu.memory_space<vmem>>, %arg5: memref<1x1x2048xf32, #tpu.memory_space<vmem>>, %arg6: memref<1x256x1xf32, #tpu.memory_space<vmem>>) attributes {dimension_semantics = [#tpu.dimension_semantics<arbitrary>, #tpu.dimension_semantics<arbitrary>], iteration_bounds = array<i64: 8, 8>, scalar_prefetch = 0 : i64, scratch_operands = 0 : i64, tpu.core_type = #tpu.core_type<tc>, window_params = [{transform_indices = @transform_0, window_bounds = array<i64: 1, 256, 2048>}, {transform_indices = @transform_1, window_bounds = array<i64: 1, 256, 1>}, {transform_indices = @transform_2, window_bounds = array<i64: 1, 1, 2048>}, {transform_indices = @transform_3, window_bounds = array<i64: 1, 1, 2048>}, {transform_indices = @transform_4, window_bounds = array<i64: 1, 256, 1>}]} {
    %get3A = arith.constant 0 : index
    %get3A_0 = arith.constant 0 : index
    %get3A_1 = arith.constant 0 : index
    %get3A_2 = vector.load %arg2[%get3A, %get3A_0, %get3A_1] : memref<1x256x2048xf32, #tpu.memory_space<vmem>>, vector<1x256x2048xf32>
    %get3A_3 = vector.shape_cast %get3A_2 : vector<1x256x2048xf32> to vector<256x2048xf32>
    %get3A_4 = arith.constant 0 : index
    %get3A_5 = arith.constant 0 : index
    %get3A_6 = arith.constant 0 : index
    %get3A_7 = vector.load %arg5[%get3A_4, %get3A_5, %get3A_6] : memref<1x1x2048xf32, #tpu.memory_space<vmem>>, vector<1x1x2048xf32>
    %get3A_8 = vector.shape_cast %get3A_7 : vector<1x1x2048xf32> to vector<1x2048xf32>
    %reduce_max3A = vector.shape_cast %get3A_8 : vector<1x2048xf32> to vector<1x1x2048xf32>
    %reduce_max3A_9 = arith.constant dense<0xFF800000> : vector<1xf32>
    %reduce_max3A_10 = vector.multi_reduction <maximumf>, %reduce_max3A, %reduce_max3A_9 [1, 2] : vector<1x1x2048xf32> to vector<1xf32>
    %reduce_max3A_11 = vector.shape_cast %reduce_max3A_10 : vector<1xf32> to vector<1x1x1xf32>
    %reduce_max3A_12 = vector.extract %reduce_max3A_11[0, 0, 0] : f32 from vector<1x1x1xf32>
    %get3A_13 = arith.constant 0 : index
    %get3A_14 = arith.constant 0 : index
    %get3A_15 = arith.constant 0 : index
    %get3A_16 = vector.load %arg4[%get3A_13, %get3A_14, %get3A_15] : memref<1x1x2048xf32, #tpu.memory_space<vmem>>, vector<1x1x2048xf32>
    %get3A_17 = vector.shape_cast %get3A_16 : vector<1x1x2048xf32> to vector<1x2048xf32>
    %get3A_18 = arith.constant 0 : index
    %get3A_19 = arith.constant 0 : index
    %get3A_20 = arith.constant 0 : index
    %get3A_21 = vector.load %arg3[%get3A_18, %get3A_19, %get3A_20] : memref<1x256x1xf32, #tpu.memory_space<vmem>>, vector<1x256x1xf32>
    %get3A_22 = vector.shape_cast %get3A_21 : vector<1x256x1xf32> to vector<256x1xf32>
    %gt3A = vector.broadcast %get3A_17 : vector<1x2048xf32> to vector<256x2048xf32>
    %gt3A_23 = vector.broadcast %get3A_22 : vector<256x1xf32> to vector<256x2048xf32>
    %gt3A_24 = arith.cmpf ogt, %gt3A, %gt3A_23 : vector<256x2048xf32>
    %jit3A = arith.constant 0x7F800000 : f32
    %broadcast_in_dim3A = vector.broadcast %jit3A : f32 to vector<256x2048xf32>
    %select_n3A = arith.select %gt3A_24, %get3A_3, %broadcast_in_dim3A : vector<256x2048xi1>, vector<256x2048xf32>
    %reduce_min3A = arith.constant dense<0x7F800000> : vector<256xf32>
    %reduce_min3A_25 = vector.multi_reduction <minimumf>, %select_n3A, %reduce_min3A [1] : vector<256x2048xf32> to vector<256xf32>
    %broadcast_in_dim3A_26 = vector.shape_cast %reduce_min3A_25 : vector<256xf32> to vector<256x1xf32>
    %min3A = vector.broadcast %reduce_max3A_12 : f32 to vector<256x1xf32>
    %min3A_27 = arith.minimumf %broadcast_in_dim3A_26, %min3A : vector<256x1xf32>
    %get3A_28 = arith.constant 0 : index
    %get3A_29 = arith.constant 0 : index
    %get3A_30 = arith.constant 0 : index
    %get3A_31 = vector.load %arg3[%get3A_28, %get3A_29, %get3A_30] : memref<1x256x1xf32, #tpu.memory_space<vmem>>, vector<1x256x1xf32>
    %get3A_32 = vector.shape_cast %get3A_31 : vector<1x256x1xf32> to vector<256x1xf32>
    %mul3A = arith.mulf %min3A_27, %get3A_32 : vector<256x1xf32>
    %swap3A = arith.constant 0 : index
    %swap3A_33 = arith.constant 0 : index
    %swap3A_34 = arith.constant 0 : index
    %swap3A_35 = vector.load %arg6[%swap3A, %swap3A_33, %swap3A_34] : memref<1x256x1xf32, #tpu.memory_space<vmem>>, vector<1x256x1xf32>
    %swap3A_36 = vector.shape_cast %swap3A_35 : vector<1x256x1xf32> to vector<256x1xf32>
    %swap3A_37 = vector.shape_cast %mul3A : vector<256x1xf32> to vector<1x256x1xf32>
    tpu.vector_store %arg6[%swap3A, %swap3A_33, %swap3A_34], %swap3A_37 {strides = array<i32>} : memref<1x256x1xf32, #tpu.memory_space<vmem>>, vector<1x256x1xf32>,
    return
  }
  func.func @transform_0(%arg0: i32, %arg1: i32) -> (i32, i32, i32) {
    %c0_i32 = arith.constant 0 : i32
    %c0_i32_0 = arith.constant 0 : i32
    return %arg0, %arg1, %c0_i32 : i32, i32, i32
  }
  func.func @transform_1(%arg0: i32, %arg1: i32) -> (i32, i32, i32) {
    %c0_i32 = arith.constant 0 : i32
    %c0_i32_0 = arith.constant 0 : i32
    return %arg0, %arg1, %c0_i32 : i32, i32, i32
  }
  func.func @transform_2(%arg0: i32, %arg1: i32) -> (i32, i32, i32) {
    %c0_i32 = arith.constant 0 : i32
    %c0_i32_0 = arith.constant 0 : i32
    %c0_i32_1 = arith.constant 0 : i32
    return %arg0, %c0_i32, %c0_i32_0 : i32, i32, i32
  }
  func.func @transform_3(%arg0: i32, %arg1: i32) -> (i32, i32, i32) {
    %c0_i32 = arith.constant 0 : i32
    %c0_i32_0 = arith.constant 0 : i32
    %c0_i32_1 = arith.constant 0 : i32
    return %arg0, %c0_i32, %c0_i32_0 : i32, i32, i32
  }
  func.func @transform_4(%arg0: i32, %arg1: i32) -> (i32, i32, i32) {
    %c0_i32 = arith.constant 0 : i32
    %c0_i32_0 = arith.constant 0 : i32
    return %arg0, %arg1, %c0_i32 : i32, i32, i32
  }
}

module attributes {stable_mosaic.version = 14 : i64} {
  func.func @_rank_kernel(%arg0: i32, %arg1: i32, %arg2: memref<1x256x1xf32, #tpu.memory_space<vmem>>, %arg3: memref<1x1x2048xf32, #tpu.memory_space<vmem>>, %arg4: memref<1x256x1xf32, #tpu.memory_space<vmem>>) attributes {dimension_semantics = [#tpu.dimension_semantics<arbitrary>, #tpu.dimension_semantics<arbitrary>], iteration_bounds = array<i64: 8, 8>, scalar_prefetch = 0 : i64, scratch_operands = 0 : i64, tpu.core_type = #tpu.core_type<tc>, window_params = [{transform_indices = @transform_0, window_bounds = array<i64: 1, 256, 1>}, {transform_indices = @transform_1, window_bounds = array<i64: 1, 1, 2048>}, {transform_indices = @transform_2, window_bounds = array<i64: 1, 256, 1>}]} {
    %iota3A = tpu.iota {dimensions = array<i32: 1>} : vector<256x2048xi32>
    %iota3A_0 = tpu.iota {dimensions = array<i32: 0>} : vector<256x2048xi32>
    %mul3A = arith.constant 256 : i32
    %mul3A_1 = arith.muli %arg1, %mul3A : i32
    %add3A = vector.broadcast %mul3A_1 : i32 to vector<256x2048xi32>
    %add3A_2 = arith.addi %iota3A_0, %add3A : vector<256x2048xi32>
    %get3A = arith.constant 0 : index
    %get3A_3 = arith.constant 0 : index
    %get3A_4 = arith.constant 0 : index
    %get3A_5 = vector.load %arg3[%get3A, %get3A_3, %get3A_4] : memref<1x1x2048xf32, #tpu.memory_space<vmem>>, vector<1x1x2048xf32>
    %get3A_6 = vector.shape_cast %get3A_5 : vector<1x1x2048xf32> to vector<1x2048xf32>
    %get3A_7 = arith.constant 0 : index
    %get3A_8 = arith.constant 0 : index
    %get3A_9 = arith.constant 0 : index
    %get3A_10 = vector.load %arg2[%get3A_7, %get3A_8, %get3A_9] : memref<1x256x1xf32, #tpu.memory_space<vmem>>, vector<1x256x1xf32>
    %get3A_11 = vector.shape_cast %get3A_10 : vector<1x256x1xf32> to vector<256x1xf32>
    %gt3A = vector.broadcast %get3A_6 : vector<1x2048xf32> to vector<256x2048xf32>
    %gt3A_12 = vector.broadcast %get3A_11 : vector<256x1xf32> to vector<256x2048xf32>
    %gt3A_13 = arith.cmpf ogt, %gt3A, %gt3A_12 : vector<256x2048xf32>
    %get3A_14 = arith.constant 0 : index
    %get3A_15 = arith.constant 0 : index
    %get3A_16 = arith.constant 0 : index
    %get3A_17 = vector.load %arg3[%get3A_14, %get3A_15, %get3A_16] : memref<1x1x2048xf32, #tpu.memory_space<vmem>>, vector<1x1x2048xf32>
    %get3A_18 = vector.shape_cast %get3A_17 : vector<1x1x2048xf32> to vector<1x2048xf32>
    %get3A_19 = arith.constant 0 : index
    %get3A_20 = arith.constant 0 : index
    %get3A_21 = arith.constant 0 : index
    %get3A_22 = vector.load %arg2[%get3A_19, %get3A_20, %get3A_21] : memref<1x256x1xf32, #tpu.memory_space<vmem>>, vector<1x256x1xf32>
    %get3A_23 = vector.shape_cast %get3A_22 : vector<1x256x1xf32> to vector<256x1xf32>
    %eq3A = vector.broadcast %get3A_18 : vector<1x2048xf32> to vector<256x2048xf32>
    %eq3A_24 = vector.broadcast %get3A_23 : vector<256x1xf32> to vector<256x2048xf32>
    %eq3A_25 = arith.cmpf oeq, %eq3A, %eq3A_24 : vector<256x2048xf32>
    %lt3A = arith.cmpi slt, %iota3A, %add3A_2 : vector<256x2048xi32>
    %and3A = arith.andi %eq3A_25, %lt3A : vector<256x2048xi1>
    %or3A = arith.ori %gt3A_13, %and3A : vector<256x2048xi1>
    %convert_element_type3A = arith.extui %or3A : vector<256x2048xi1> to vector<256x2048xi32>
    %convert_element_type3A_26 = arith.sitofp %convert_element_type3A : vector<256x2048xi32> to vector<256x2048xf32>
    %reduce_sum3A = arith.constant dense<0.000000e+00> : vector<256xf32>
    %reduce_sum3A_27 = vector.multi_reduction <add>, %convert_element_type3A_26, %reduce_sum3A [1] : vector<256x2048xf32> to vector<256xf32>
    %broadcast_in_dim3A = vector.shape_cast %reduce_sum3A_27 : vector<256xf32> to vector<256x1xf32>
    %swap3A = arith.constant 0 : index
    %swap3A_28 = arith.constant 0 : index
    %swap3A_29 = arith.constant 0 : index
    %swap3A_30 = vector.load %arg4[%swap3A, %swap3A_28, %swap3A_29] : memref<1x256x1xf32, #tpu.memory_space<vmem>>, vector<1x256x1xf32>
    %swap3A_31 = vector.shape_cast %swap3A_30 : vector<1x256x1xf32> to vector<256x1xf32>
    %swap3A_32 = vector.shape_cast %broadcast_in_dim3A : vector<256x1xf32> to vector<1x256x1xf32>
    tpu.vector_store %arg4[%swap3A, %swap3A_28, %swap3A_29], %swap3A_32 {strides = array<i32>} : memref<1x256x1xf32, #tpu.memory_space<vmem>>, vector<1x256x1xf32>,
    return
  }
  func.func @transform_0(%arg0: i32, %arg1: i32) -> (i32, i32, i32) {
    %c0_i32 = arith.constant 0 : i32
    %c0_i32_0 = arith.constant 0 : i32
    return %arg0, %arg1, %c0_i32 : i32, i32, i32
  }
  func.func @transform_1(%arg0: i32, %arg1: i32) -> (i32, i32, i32) {
    %c0_i32 = arith.constant 0 : i32
    %c0_i32_0 = arith.constant 0 : i32
    %c0_i32_1 = arith.constant 0 : i32
    return %arg0, %c0_i32, %c0_i32_0 : i32, i32, i32
  }
  func.func @transform_2(%arg0: i32, %arg1: i32) -> (i32, i32, i32) {
    %c0_i32 = arith.constant 0 : i32
    %c0_i32_0 = arith.constant 0 : i32
    return %arg0, %arg1, %c0_i32 : i32, i32, i32
  }
}

module attributes {stable_mosaic.version = 14 : i64} {
  func.func @_select_kernel(%arg0: i32, %arg1: memref<1x1x2048xf32, #tpu.memory_space<vmem>>, %arg2: memref<1x256x1xf32, #tpu.memory_space<vmem>>) attributes {dimension_semantics = [#tpu.dimension_semantics<arbitrary>], iteration_bounds = array<i64: 8>, scalar_prefetch = 0 : i64, scratch_operands = 0 : i64, tpu.core_type = #tpu.core_type<tc>, window_params = [{transform_indices = @transform_0, window_bounds = array<i64: 1, 1, 2048>}, {transform_indices = @transform_1, window_bounds = array<i64: 1, 256, 1>}]} {
    %iota3A = tpu.iota {dimensions = array<i32: 0>} : vector<256x2048xi32>
    %convert_element_type3A = arith.sitofp %iota3A : vector<256x2048xi32> to vector<256x2048xf32>
    %get3A = arith.constant 0 : index
    %get3A_0 = arith.constant 0 : index
    %get3A_1 = arith.constant 0 : index
    %get3A_2 = vector.load %arg1[%get3A, %get3A_0, %get3A_1] : memref<1x1x2048xf32, #tpu.memory_space<vmem>>, vector<1x1x2048xf32>
    %get3A_3 = vector.shape_cast %get3A_2 : vector<1x1x2048xf32> to vector<1x2048xf32>
    %eq3A = vector.broadcast %get3A_3 : vector<1x2048xf32> to vector<256x2048xf32>
    %eq3A_4 = arith.cmpf oeq, %eq3A, %convert_element_type3A : vector<256x2048xf32>
    %convert_element_type3A_5 = arith.extui %eq3A_4 : vector<256x2048xi1> to vector<256x2048xi32>
    %convert_element_type3A_6 = arith.sitofp %convert_element_type3A_5 : vector<256x2048xi32> to vector<256x2048xf32>
    %iota3A_7 = tpu.iota {dimensions = array<i32: 1>} : vector<256x2048xi32>
    %convert_element_type3A_8 = arith.sitofp %iota3A_7 : vector<256x2048xi32> to vector<256x2048xf32>
    %mul3A = arith.mulf %convert_element_type3A_6, %convert_element_type3A_8 : vector<256x2048xf32>
    %reduce_sum3A = arith.constant dense<0.000000e+00> : vector<256xf32>
    %reduce_sum3A_9 = vector.multi_reduction <add>, %mul3A, %reduce_sum3A [1] : vector<256x2048xf32> to vector<256xf32>
    %broadcast_in_dim3A = vector.shape_cast %reduce_sum3A_9 : vector<256xf32> to vector<256x1xf32>
    %swap3A = arith.constant 0 : index
    %swap3A_10 = arith.constant 0 : index
    %swap3A_11 = arith.constant 0 : index
    %swap3A_12 = vector.load %arg2[%swap3A, %swap3A_10, %swap3A_11] : memref<1x256x1xf32, #tpu.memory_space<vmem>>, vector<1x256x1xf32>
    %swap3A_13 = vector.shape_cast %swap3A_12 : vector<1x256x1xf32> to vector<256x1xf32>
    %swap3A_14 = vector.shape_cast %broadcast_in_dim3A : vector<256x1xf32> to vector<1x256x1xf32>
    tpu.vector_store %arg2[%swap3A, %swap3A_10, %swap3A_11], %swap3A_14 {strides = array<i32>} : memref<1x256x1xf32, #tpu.memory_space<vmem>>, vector<1x256x1xf32>,
    return
  }
  func.func @transform_0(%arg0: i32) -> (i32, i32, i32) {
    %c0_i32 = arith.constant 0 : i32
    %c0_i32_0 = arith.constant 0 : i32
    %c0_i32_1 = arith.constant 0 : i32
    return %arg0, %c0_i32, %c0_i32_0 : i32, i32, i32
  }
  func.func @transform_1(%arg0: i32) -> (i32, i32, i32) {
    %c0_i32 = arith.constant 0 : i32
    %c0_i32_0 = arith.constant 0 : i32
    %c0_i32_1 = arith.constant 0 : i32
    return %arg0, %c0_i32, %c0_i32_0 : i32, i32, i32
  }
}

module attributes {stable_mosaic.version = 14 : i64} {
  func.func @_prep_kernel(%arg0: i32, %arg1: memref<1x2048x192xf32, #tpu.memory_space<vmem>>, %arg2: memref<192xf32, #tpu.memory_space<vmem>>, %arg3: memref<192xf32, #tpu.memory_space<vmem>>, %arg4: memref<192x1xf32, #tpu.memory_space<vmem>>, %arg5: memref<1xf32, #tpu.memory_space<vmem>>, %arg6: memref<192x384xf32, #tpu.memory_space<vmem>>, %arg7: memref<384xf32, #tpu.memory_space<vmem>>, %arg8: memref<1x2048x192xf32, #tpu.memory_space<vmem>>, %arg9: memref<1x2048x1xf32, #tpu.memory_space<vmem>>, %arg10: memref<1x2048x384xf32, #tpu.memory_space<vmem>>) attributes {dimension_semantics = [#tpu.dimension_semantics<arbitrary>], iteration_bounds = array<i64: 8>, scalar_prefetch = 0 : i64, scratch_operands = 0 : i64, tpu.core_type = #tpu.core_type<tc>, window_params = [{transform_indices = @transform_0, window_bounds = array<i64: 1, 2048, 192>}, {pipeline_mode = #tpu.pipeline_mode<synchronous>, transform_indices = @transform_1, window_bounds = array<i64: 192>}, {pipeline_mode = #tpu.pipeline_mode<synchronous>, transform_indices = @transform_2, window_bounds = array<i64: 192>}, {pipeline_mode = #tpu.pipeline_mode<synchronous>, transform_indices = @transform_3, window_bounds = array<i64: 192, 1>}, {pipeline_mode = #tpu.pipeline_mode<synchronous>, transform_indices = @transform_4, window_bounds = array<i64: 1>}, {pipeline_mode = #tpu.pipeline_mode<synchronous>, transform_indices = @transform_5, window_bounds = array<i64: 192, 384>}, {pipeline_mode = #tpu.pipeline_mode<synchronous>, transform_indices = @transform_6, window_bounds = array<i64: 384>}, {transform_indices = @transform_7, window_bounds = array<i64: 1, 2048, 192>}, {transform_indices = @transform_8, window_bounds = array<i64: 1, 2048, 1>}, {transform_indices = @transform_9, window_bounds = array<i64: 1, 2048, 384>}]} {
    %get3A = arith.constant 0 : index
    %get3A_0 = arith.constant 0 : index
    %get3A_1 = arith.constant 0 : index
    %get3A_2 = vector.load %arg1[%get3A, %get3A_0, %get3A_1] : memref<1x2048x192xf32, #tpu.memory_space<vmem>>, vector<1x2048x192xf32>
    %get3A_3 = vector.shape_cast %get3A_2 : vector<1x2048x192xf32> to vector<2048x192xf32>
    %get3A_4 = arith.constant 0 : index
    %get3A_5 = vector.load %arg2[%get3A_4] : memref<192xf32, #tpu.memory_space<vmem>>, vector<192xf32>
    %get3A_6 = arith.constant 0 : index
    %get3A_7 = vector.load %arg3[%get3A_6] : memref<192xf32, #tpu.memory_space<vmem>>, vector<192xf32>
    %reduce_sum3A = arith.constant dense<0.000000e+00> : vector<2048xf32>
    %reduce_sum3A_8 = vector.multi_reduction <add>, %get3A_3, %reduce_sum3A [1] : vector<2048x192xf32> to vector<2048xf32>
    %broadcast_in_dim3A = vector.shape_cast %reduce_sum3A_8 : vector<2048xf32> to vector<2048x1xf32>
    %div3A = arith.constant 1.920000e+02 : f32
    %div3A_9 = vector.broadcast %div3A : f32 to vector<2048x1xf32>
    %div3A_10 = arith.divf %broadcast_in_dim3A, %div3A_9 : vector<2048x1xf32>
    %sub3A = vector.broadcast %div3A_10 : vector<2048x1xf32> to vector<2048x192xf32>
    %sub3A_11 = arith.subf %get3A_3, %sub3A : vector<2048x192xf32>
    %integer_pow3A = arith.mulf %sub3A_11, %sub3A_11 : vector<2048x192xf32>
    %reduce_sum3A_12 = arith.constant dense<0.000000e+00> : vector<2048xf32>
    %reduce_sum3A_13 = vector.multi_reduction <add>, %integer_pow3A, %reduce_sum3A_12 [1] : vector<2048x192xf32> to vector<2048xf32>
    %broadcast_in_dim3A_14 = vector.shape_cast %reduce_sum3A_13 : vector<2048xf32> to vector<2048x1xf32>
    %div3A_15 = arith.constant 1.920000e+02 : f32
    %div3A_16 = vector.broadcast %div3A_15 : f32 to vector<2048x1xf32>
    %div3A_17 = arith.divf %broadcast_in_dim3A_14, %div3A_16 : vector<2048x1xf32>
    %sub3A_18 = vector.broadcast %div3A_10 : vector<2048x1xf32> to vector<2048x192xf32>
    %sub3A_19 = arith.subf %get3A_3, %sub3A_18 : vector<2048x192xf32>
    %add3A = arith.constant 9.99999974E-6 : f32
    %add3A_20 = vector.broadcast %add3A : f32 to vector<2048x1xf32>
    %add3A_21 = arith.addf %div3A_17, %add3A_20 : vector<2048x1xf32>
    %sqrt3A = math.sqrt %add3A_21 : vector<2048x1xf32>
    %div3A_22 = vector.broadcast %sqrt3A : vector<2048x1xf32> to vector<2048x192xf32>
    %div3A_23 = arith.divf %sub3A_19, %div3A_22 : vector<2048x192xf32>
    %broadcast_in_dim3A_24 = vector.shape_cast %get3A_5 : vector<192xf32> to vector<1x192xf32>
    %mul3A = vector.broadcast %broadcast_in_dim3A_24 : vector<1x192xf32> to vector<2048x192xf32>
    %mul3A_25 = arith.mulf %div3A_23, %mul3A : vector<2048x192xf32>
    %broadcast_in_dim3A_26 = vector.shape_cast %get3A_7 : vector<192xf32> to vector<1x192xf32>
    %add3A_27 = vector.broadcast %broadcast_in_dim3A_26 : vector<1x192xf32> to vector<2048x192xf32>
    %add3A_28 = arith.addf %mul3A_25, %add3A_27 : vector<2048x192xf32>
    %swap3A = arith.constant 0 : index
    %swap3A_29 = arith.constant 0 : index
    %swap3A_30 = arith.constant 0 : index
    %swap3A_31 = vector.load %arg8[%swap3A, %swap3A_29, %swap3A_30] : memref<1x2048x192xf32, #tpu.memory_space<vmem>>, vector<1x2048x192xf32>
    %swap3A_32 = vector.shape_cast %swap3A_31 : vector<1x2048x192xf32> to vector<2048x192xf32>
    %swap3A_33 = vector.shape_cast %add3A_28 : vector<2048x192xf32> to vector<1x2048x192xf32>
    tpu.vector_store %arg8[%swap3A, %swap3A_29, %swap3A_30], %swap3A_33 {strides = array<i32>} : memref<1x2048x192xf32, #tpu.memory_space<vmem>>, vector<1x2048x192xf32>,
    %get3A_34 = arith.constant 0 : index
    %get3A_35 = arith.constant 0 : index
    %get3A_36 = vector.load %arg4[%get3A_34, %get3A_35] : memref<192x1xf32, #tpu.memory_space<vmem>>, vector<192x1xf32>
    %dot_general3A = arith.constant dense<0.000000e+00> : vector<2048x1xf32>
    %dot_general3A_37 = tpu.matmul %add3A_28, %get3A_36, %dot_general3A {dimension_numbers = #tpu.dot_dimension_numbers<[1], [0], [0], [1], [0, 0, 1, 1], [], []>, transpose_lhs_hint = false} : vector<2048x192xf32>, vector<192x1xf32>, vector<2048x1xf32> -> vector<2048x1xf32>
    %get3A_38 = arith.constant 0 : index
    %get3A_39 = vector.load %arg5[%get3A_38] : memref<1xf32, #tpu.memory_space<vmem>>, vector<1xf32>
    %get3A_40 = vector.extract %get3A_39[0] : f32 from vector<1xf32>
    %add3A_41 = vector.broadcast %get3A_40 : f32 to vector<2048x1xf32>
    %add3A_42 = arith.addf %dot_general3A_37, %add3A_41 : vector<2048x1xf32>
    %swap3A_43 = arith.constant 0 : index
    %swap3A_44 = arith.constant 0 : index
    %swap3A_45 = arith.constant 0 : index
    %swap3A_46 = vector.load %arg9[%swap3A_43, %swap3A_44, %swap3A_45] : memref<1x2048x1xf32, #tpu.memory_space<vmem>>, vector<1x2048x1xf32>
    %swap3A_47 = vector.shape_cast %swap3A_46 : vector<1x2048x1xf32> to vector<2048x1xf32>
    %swap3A_48 = vector.shape_cast %add3A_42 : vector<2048x1xf32> to vector<1x2048x1xf32>
    tpu.vector_store %arg9[%swap3A_43, %swap3A_44, %swap3A_45], %swap3A_48 {strides = array<i32>} : memref<1x2048x1xf32, #tpu.memory_space<vmem>>, vector<1x2048x1xf32>,
    %get3A_49 = arith.constant 0 : index
    %get3A_50 = arith.constant 0 : index
    %get3A_51 = vector.load %arg6[%get3A_49, %get3A_50] : memref<192x384xf32, #tpu.memory_space<vmem>>, vector<192x384xf32>
    %dot_general3A_52 = arith.constant dense<0.000000e+00> : vector<2048x384xf32>
    %dot_general3A_53 = tpu.matmul %add3A_28, %get3A_51, %dot_general3A_52 {dimension_numbers = #tpu.dot_dimension_numbers<[1], [0], [0], [1], [0, 0, 1, 1], [], []>, transpose_lhs_hint = false} : vector<2048x192xf32>, vector<192x384xf32>, vector<2048x384xf32> -> vector<2048x384xf32>
    %get3A_54 = arith.constant 0 : index
    %get3A_55 = vector.load %arg7[%get3A_54] : memref<384xf32, #tpu.memory_space<vmem>>, vector<384xf32>
    %broadcast_in_dim3A_56 = vector.shape_cast %get3A_55 : vector<384xf32> to vector<1x384xf32>
    %add3A_57 = vector.broadcast %broadcast_in_dim3A_56 : vector<1x384xf32> to vector<2048x384xf32>
    %add3A_58 = arith.addf %dot_general3A_53, %add3A_57 : vector<2048x384xf32>
    %swap3A_59 = arith.constant 0 : index
    %swap3A_60 = arith.constant 0 : index
    %swap3A_61 = arith.constant 0 : index
    %swap3A_62 = vector.load %arg10[%swap3A_59, %swap3A_60, %swap3A_61] : memref<1x2048x384xf32, #tpu.memory_space<vmem>>, vector<1x2048x384xf32>
    %swap3A_63 = vector.shape_cast %swap3A_62 : vector<1x2048x384xf32> to vector<2048x384xf32>
    %swap3A_64 = vector.shape_cast %add3A_58 : vector<2048x384xf32> to vector<1x2048x384xf32>
    tpu.vector_store %arg10[%swap3A_59, %swap3A_60, %swap3A_61], %swap3A_64 {strides = array<i32>} : memref<1x2048x384xf32, #tpu.memory_space<vmem>>, vector<1x2048x384xf32>,
    return
  }
  func.func @transform_0(%arg0: i32) -> (i32, i32, i32) {
    %c0_i32 = arith.constant 0 : i32
    %c0_i32_0 = arith.constant 0 : i32
    %c0_i32_1 = arith.constant 0 : i32
    return %arg0, %c0_i32, %c0_i32_0 : i32, i32, i32
  }
  func.func @transform_1(%arg0: i32) -> i32 {
    %c0_i32 = arith.constant 0 : i32
    %c0_i32_0 = arith.constant 0 : i32
    return %c0_i32 : i32
  }
  func.func @transform_2(%arg0: i32) -> i32 {
    %c0_i32 = arith.constant 0 : i32
    %c0_i32_0 = arith.constant 0 : i32
    return %c0_i32 : i32
  }
  func.func @transform_3(%arg0: i32) -> (i32, i32) {
    %c0_i32 = arith.constant 0 : i32
    %c0_i32_0 = arith.constant 0 : i32
    %c0_i32_1 = arith.constant 0 : i32
    return %c0_i32, %c0_i32_0 : i32, i32
  }
  func.func @transform_4(%arg0: i32) -> i32 {
    %c0_i32 = arith.constant 0 : i32
    %c0_i32_0 = arith.constant 0 : i32
    return %c0_i32 : i32
  }
  func.func @transform_5(%arg0: i32) -> (i32, i32) {
    %c0_i32 = arith.constant 0 : i32
    %c0_i32_0 = arith.constant 0 : i32
    %c0_i32_1 = arith.constant 0 : i32
    return %c0_i32, %c0_i32_0 : i32, i32
  }
  func.func @transform_6(%arg0: i32) -> i32 {
    %c0_i32 = arith.constant 0 : i32
    %c0_i32_0 = arith.constant 0 : i32
    return %c0_i32 : i32
  }
  func.func @transform_7(%arg0: i32) -> (i32, i32, i32) {
    %c0_i32 = arith.constant 0 : i32
    %c0_i32_0 = arith.constant 0 : i32
    %c0_i32_1 = arith.constant 0 : i32
    return %arg0, %c0_i32, %c0_i32_0 : i32, i32, i32
  }
  func.func @transform_8(%arg0: i32) -> (i32, i32, i32) {
    %c0_i32 = arith.constant 0 : i32
    %c0_i32_0 = arith.constant 0 : i32
    %c0_i32_1 = arith.constant 0 : i32
    return %arg0, %c0_i32, %c0_i32_0 : i32, i32, i32
  }
  func.func @transform_9(%arg0: i32) -> (i32, i32, i32) {
    %c0_i32 = arith.constant 0 : i32
    %c0_i32_0 = arith.constant 0 : i32
    %c0_i32_1 = arith.constant 0 : i32
    return %arg0, %c0_i32, %c0_i32_0 : i32, i32, i32
  }
}

module attributes {stable_mosaic.version = 14 : i64} {
  func.func @_merge_kernel(%arg0: i32, %arg1: memref<1x2048x192xf32, #tpu.memory_space<vmem>>, %arg2: memref<1x1x2048xf32, #tpu.memory_space<vmem>>, %arg3: memref<1x256x2048xf32, #tpu.memory_space<vmem>>, %arg4: memref<1x2048x1xf32, #tpu.memory_space<vmem>>, %arg5: memref<192x192xf32, #tpu.memory_space<vmem>>, %arg6: memref<192xf32, #tpu.memory_space<vmem>>, %arg7: memref<1x256x192xf32, #tpu.memory_space<vmem>>, %arg8: memref<1x256x192xf32, #tpu.memory_space<vmem>>) attributes {dimension_semantics = [#tpu.dimension_semantics<arbitrary>], iteration_bounds = array<i64: 8>, scalar_prefetch = 0 : i64, scratch_operands = 0 : i64, tpu.core_type = #tpu.core_type<tc>, window_params = [{transform_indices = @transform_0, window_bounds = array<i64: 1, 2048, 192>}, {transform_indices = @transform_1, window_bounds = array<i64: 1, 1, 2048>}, {transform_indices = @transform_2, window_bounds = array<i64: 1, 256, 2048>}, {transform_indices = @transform_3, window_bounds = array<i64: 1, 2048, 1>}, {pipeline_mode = #tpu.pipeline_mode<synchronous>, transform_indices = @transform_4, window_bounds = array<i64: 192, 192>}, {pipeline_mode = #tpu.pipeline_mode<synchronous>, transform_indices = @transform_5, window_bounds = array<i64: 192>}, {transform_indices = @transform_6, window_bounds = array<i64: 1, 256, 192>}, {transform_indices = @transform_7, window_bounds = array<i64: 1, 256, 192>}]} {
    %get3A = arith.constant 0 : index
    %get3A_0 = arith.constant 0 : index
    %get3A_1 = arith.constant 0 : index
    %get3A_2 = vector.load %arg1[%get3A, %get3A_0, %get3A_1] : memref<1x2048x192xf32, #tpu.memory_space<vmem>>, vector<1x2048x192xf32>
    %get3A_3 = vector.shape_cast %get3A_2 : vector<1x2048x192xf32> to vector<2048x192xf32>
    %get3A_4 = arith.constant 0 : index
    %get3A_5 = arith.constant 0 : index
    %get3A_6 = arith.constant 0 : index
    %get3A_7 = vector.load %arg2[%get3A_4, %get3A_5, %get3A_6] : memref<1x1x2048xf32, #tpu.memory_space<vmem>>, vector<1x1x2048xf32>
    %get3A_8 = vector.shape_cast %get3A_7 : vector<1x1x2048xf32> to vector<1x2048xf32>
    %get3A_9 = arith.constant 0 : index
    %get3A_10 = arith.constant 0 : index
    %get3A_11 = arith.constant 0 : index
    %get3A_12 = vector.load %arg3[%get3A_9, %get3A_10, %get3A_11] : memref<1x256x2048xf32, #tpu.memory_space<vmem>>, vector<1x256x2048xf32>
    %get3A_13 = vector.shape_cast %get3A_12 : vector<1x256x2048xf32> to vector<256x2048xf32>
    %iota3A = tpu.iota {dimensions = array<i32: 0>} : vector<256x2048xi32>
    %convert_element_type3A = arith.sitofp %iota3A : vector<256x2048xi32> to vector<256x2048xf32>
    %reduce_min3A = arith.constant dense<0x7F800000> : vector<2048xf32>
    %reduce_min3A_14 = vector.multi_reduction <minimumf>, %get3A_13, %reduce_min3A [0] : vector<256x2048xf32> to vector<2048xf32>
    %broadcast_in_dim3A = vector.shape_cast %reduce_min3A_14 : vector<2048xf32> to vector<1x2048xf32>
    %eq3A = vector.broadcast %broadcast_in_dim3A : vector<1x2048xf32> to vector<256x2048xf32>
    %eq3A_15 = arith.cmpf oeq, %get3A_13, %eq3A : vector<256x2048xf32>
    %jit3A = arith.constant 2.560000e+02 : f32
    %broadcast_in_dim3A_16 = vector.broadcast %jit3A : f32 to vector<256x2048xf32>
    %select_n3A = arith.select %eq3A_15, %convert_element_type3A, %broadcast_in_dim3A_16 : vector<256x2048xi1>, vector<256x2048xf32>
    %reduce_min3A_17 = arith.constant dense<0x7F800000> : vector<2048xf32>
    %reduce_min3A_18 = vector.multi_reduction <minimumf>, %select_n3A, %reduce_min3A_17 [0] : vector<256x2048xf32> to vector<2048xf32>
    %broadcast_in_dim3A_19 = vector.shape_cast %reduce_min3A_18 : vector<2048xf32> to vector<1x2048xf32>
    %lt3A = arith.constant 2.560000e+02 : f32
    %lt3A_20 = vector.broadcast %lt3A : f32 to vector<1x2048xf32>
    %lt3A_21 = arith.cmpf olt, %get3A_8, %lt3A_20 : vector<1x2048xf32>
    %select_n3A_22 = arith.select %lt3A_21, %get3A_8, %broadcast_in_dim3A_19 : vector<1x2048xi1>, vector<1x2048xf32>
    %eq3A_23 = vector.broadcast %select_n3A_22 : vector<1x2048xf32> to vector<256x2048xf32>
    %eq3A_24 = arith.cmpf oeq, %eq3A_23, %convert_element_type3A : vector<256x2048xf32>
    %convert_element_type3A_25 = arith.extui %eq3A_24 : vector<256x2048xi1> to vector<256x2048xi32>
    %convert_element_type3A_26 = arith.sitofp %convert_element_type3A_25 : vector<256x2048xi32> to vector<256x2048xf32>
    %get3A_27 = arith.constant 0 : index
    %get3A_28 = arith.constant 0 : index
    %get3A_29 = arith.constant 0 : index
    %get3A_30 = vector.load %arg4[%get3A_27, %get3A_28, %get3A_29] : memref<1x2048x1xf32, #tpu.memory_space<vmem>>, vector<1x2048x1xf32>
    %get3A_31 = vector.shape_cast %get3A_30 : vector<1x2048x1xf32> to vector<2048x1xf32>
    %exp3A = math.exp %get3A_31 : vector<2048x1xf32>
    %dot_general3A = arith.constant dense<0.000000e+00> : vector<256x1xf32>
    %dot_general3A_32 = tpu.matmul %convert_element_type3A_26, %exp3A, %dot_general3A {dimension_numbers = #tpu.dot_dimension_numbers<[1], [0], [0], [1], [0, 0, 1, 1], [], []>, precision = #tpu.contract_precision<fp32>, transpose_lhs_hint = false} : vector<256x2048xf32>, vector<2048x1xf32>, vector<256x1xf32> -> vector<256x1xf32>
    %add3A = arith.constant 9.99999997E-7 : f32
    %add3A_33 = vector.broadcast %add3A : f32 to vector<256x1xf32>
    %add3A_34 = arith.addf %dot_general3A_32, %add3A_33 : vector<256x1xf32>
    %dot_general3A_35 = arith.constant dense<0.000000e+00> : vector<2048x1xf32>
    %dot_general3A_36 = tpu.matmul %convert_element_type3A_26, %add3A_34, %dot_general3A_35 {dimension_numbers = #tpu.dot_dimension_numbers<[0], [0], [1], [1], [0, 1, 1, 1], [], []>, precision = #tpu.contract_precision<fp32>, transpose_lhs_hint = false} : vector<256x2048xf32>, vector<256x1xf32>, vector<2048x1xf32> -> vector<2048x1xf32>
    %div3A = arith.divf %exp3A, %dot_general3A_36 : vector<2048x1xf32>
    %mul3A = vector.broadcast %div3A : vector<2048x1xf32> to vector<2048x192xf32>
    %mul3A_37 = arith.mulf %get3A_3, %mul3A : vector<2048x192xf32>
    %dot_general3A_38 = arith.constant dense<0.000000e+00> : vector<256x192xf32>
    %dot_general3A_39 = tpu.matmul %convert_element_type3A_26, %mul3A_37, %dot_general3A_38 {dimension_numbers = #tpu.dot_dimension_numbers<[1], [0], [0], [1], [0, 0, 1, 1], [], []>, precision = #tpu.contract_precision<fp32>, transpose_lhs_hint = false} : vector<256x2048xf32>, vector<2048x192xf32>, vector<256x192xf32> -> vector<256x192xf32>
    %swap3A = arith.constant 0 : index
    %swap3A_40 = arith.constant 0 : index
    %swap3A_41 = arith.constant 0 : index
    %swap3A_42 = vector.load %arg7[%swap3A, %swap3A_40, %swap3A_41] : memref<1x256x192xf32, #tpu.memory_space<vmem>>, vector<1x256x192xf32>
    %swap3A_43 = vector.shape_cast %swap3A_42 : vector<1x256x192xf32> to vector<256x192xf32>
    %swap3A_44 = vector.shape_cast %dot_general3A_39 : vector<256x192xf32> to vector<1x256x192xf32>
    tpu.vector_store %arg7[%swap3A, %swap3A_40, %swap3A_41], %swap3A_44 {strides = array<i32>} : memref<1x256x192xf32, #tpu.memory_space<vmem>>, vector<1x256x192xf32>,
    %get3A_45 = arith.constant 0 : index
    %get3A_46 = arith.constant 0 : index
    %get3A_47 = vector.load %arg5[%get3A_45, %get3A_46] : memref<192x192xf32, #tpu.memory_space<vmem>>, vector<192x192xf32>
    %dot_general3A_48 = arith.constant dense<0.000000e+00> : vector<256x192xf32>
    %dot_general3A_49 = tpu.matmul %dot_general3A_39, %get3A_47, %dot_general3A_48 {dimension_numbers = #tpu.dot_dimension_numbers<[1], [0], [0], [1], [0, 0, 1, 1], [], []>, transpose_lhs_hint = false} : vector<256x192xf32>, vector<192x192xf32>, vector<256x192xf32> -> vector<256x192xf32>
    %get3A_50 = arith.constant 0 : index
    %get3A_51 = vector.load %arg6[%get3A_50] : memref<192xf32, #tpu.memory_space<vmem>>, vector<192xf32>
    %broadcast_in_dim3A_52 = vector.shape_cast %get3A_51 : vector<192xf32> to vector<1x192xf32>
    %add3A_53 = vector.broadcast %broadcast_in_dim3A_52 : vector<1x192xf32> to vector<256x192xf32>
    %add3A_54 = arith.addf %dot_general3A_49, %add3A_53 : vector<256x192xf32>
    %swap3A_55 = arith.constant 0 : index
    %swap3A_56 = arith.constant 0 : index
    %swap3A_57 = arith.constant 0 : index
    %swap3A_58 = vector.load %arg8[%swap3A_55, %swap3A_56, %swap3A_57] : memref<1x256x192xf32, #tpu.memory_space<vmem>>, vector<1x256x192xf32>
    %swap3A_59 = vector.shape_cast %swap3A_58 : vector<1x256x192xf32> to vector<256x192xf32>
    %swap3A_60 = vector.shape_cast %add3A_54 : vector<256x192xf32> to vector<1x256x192xf32>
    tpu.vector_store %arg8[%swap3A_55, %swap3A_56, %swap3A_57], %swap3A_60 {strides = array<i32>} : memref<1x256x192xf32, #tpu.memory_space<vmem>>, vector<1x256x192xf32>,
    return
  }
  func.func @transform_0(%arg0: i32) -> (i32, i32, i32) {
    %c0_i32 = arith.constant 0 : i32
    %c0_i32_0 = arith.constant 0 : i32
    %c0_i32_1 = arith.constant 0 : i32
    return %arg0, %c0_i32, %c0_i32_0 : i32, i32, i32
  }
  func.func @transform_1(%arg0: i32) -> (i32, i32, i32) {
    %c0_i32 = arith.constant 0 : i32
    %c0_i32_0 = arith.constant 0 : i32
    %c0_i32_1 = arith.constant 0 : i32
    return %arg0, %c0_i32, %c0_i32_0 : i32, i32, i32
  }
  func.func @transform_2(%arg0: i32) -> (i32, i32, i32) {
    %c0_i32 = arith.constant 0 : i32
    %c0_i32_0 = arith.constant 0 : i32
    %c0_i32_1 = arith.constant 0 : i32
    return %arg0, %c0_i32, %c0_i32_0 : i32, i32, i32
  }
  func.func @transform_3(%arg0: i32) -> (i32, i32, i32) {
    %c0_i32 = arith.constant 0 : i32
    %c0_i32_0 = arith.constant 0 : i32
    %c0_i32_1 = arith.constant 0 : i32
    return %arg0, %c0_i32, %c0_i32_0 : i32, i32, i32
  }
  func.func @transform_4(%arg0: i32) -> (i32, i32) {
    %c0_i32 = arith.constant 0 : i32
    %c0_i32_0 = arith.constant 0 : i32
    %c0_i32_1 = arith.constant 0 : i32
    return %c0_i32, %c0_i32_0 : i32, i32
  }
  func.func @transform_5(%arg0: i32) -> i32 {
    %c0_i32 = arith.constant 0 : i32
    %c0_i32_0 = arith.constant 0 : i32
    return %c0_i32 : i32
  }
  func.func @transform_6(%arg0: i32) -> (i32, i32, i32) {
    %c0_i32 = arith.constant 0 : i32
    %c0_i32_0 = arith.constant 0 : i32
    %c0_i32_1 = arith.constant 0 : i32
    return %arg0, %c0_i32, %c0_i32_0 : i32, i32, i32
  }
  func.func @transform_7(%arg0: i32) -> (i32, i32, i32) {
    %c0_i32 = arith.constant 0 : i32
    %c0_i32_0 = arith.constant 0 : i32
    %c0_i32_1 = arith.constant 0 : i32
    return %arg0, %c0_i32, %c0_i32_0 : i32, i32, i32
  }
}

module attributes {stable_mosaic.version = 14 : i64} {
  func.func @_attn_kernel(%arg0: i32, %arg1: i32, %arg2: memref<1x1x256x32xf32, #tpu.memory_space<vmem>>, %arg3: memref<1x1x2048x32xf32, #tpu.memory_space<vmem>>, %arg4: memref<1x1x2048x32xf32, #tpu.memory_space<vmem>>, %arg5: memref<1x1x2048xf32, #tpu.memory_space<vmem>>, %arg6: memref<1x1x256x32xf32, #tpu.memory_space<vmem>>) attributes {dimension_semantics = [#tpu.dimension_semantics<arbitrary>, #tpu.dimension_semantics<arbitrary>], iteration_bounds = array<i64: 8, 6>, scalar_prefetch = 0 : i64, scratch_operands = 0 : i64, tpu.core_type = #tpu.core_type<tc>, window_params = [{transform_indices = @transform_0, window_bounds = array<i64: 1, 1, 256, 32>}, {transform_indices = @transform_1, window_bounds = array<i64: 1, 1, 2048, 32>}, {transform_indices = @transform_2, window_bounds = array<i64: 1, 1, 2048, 32>}, {transform_indices = @transform_3, window_bounds = array<i64: 1, 1, 2048>}, {transform_indices = @transform_4, window_bounds = array<i64: 1, 1, 256, 32>}]} {
    %get3A = arith.constant 0 : index
    %get3A_0 = arith.constant 0 : index
    %get3A_1 = arith.constant 0 : index
    %get3A_2 = arith.constant 0 : index
    %get3A_3 = vector.load %arg2[%get3A, %get3A_0, %get3A_1, %get3A_2] : memref<1x1x256x32xf32, #tpu.memory_space<vmem>>, vector<1x1x256x32xf32>
    %get3A_4 = vector.shape_cast %get3A_3 : vector<1x1x256x32xf32> to vector<256x32xf32>
    %get3A_5 = arith.constant 0 : index
    %get3A_6 = arith.constant 0 : index
    %get3A_7 = arith.constant 0 : index
    %get3A_8 = arith.constant 0 : index
    %get3A_9 = vector.load %arg3[%get3A_5, %get3A_6, %get3A_7, %get3A_8] : memref<1x1x2048x32xf32, #tpu.memory_space<vmem>>, vector<1x1x2048x32xf32>
    %get3A_10 = vector.shape_cast %get3A_9 : vector<1x1x2048x32xf32> to vector<2048x32xf32>
    %dot_general3A = arith.constant dense<0.000000e+00> : vector<256x2048xf32>
    %dot_general3A_11 = tpu.matmul %get3A_4, %get3A_10, %dot_general3A {dimension_numbers = #tpu.dot_dimension_numbers<[1], [1], [0], [0], [0, 0, 1, 0], [], []>, transpose_lhs_hint = false} : vector<256x32xf32>, vector<2048x32xf32>, vector<256x2048xf32> -> vector<256x2048xf32>
    %mul3A = arith.constant 0.176776692 : f32
    %mul3A_12 = vector.broadcast %mul3A : f32 to vector<256x2048xf32>
    %mul3A_13 = arith.mulf %dot_general3A_11, %mul3A_12 : vector<256x2048xf32>
    %get3A_14 = arith.constant 0 : index
    %get3A_15 = arith.constant 0 : index
    %get3A_16 = arith.constant 0 : index
    %get3A_17 = vector.load %arg5[%get3A_14, %get3A_15, %get3A_16] : memref<1x1x2048xf32, #tpu.memory_space<vmem>>, vector<1x1x2048xf32>
    %get3A_18 = vector.shape_cast %get3A_17 : vector<1x1x2048xf32> to vector<1x2048xf32>
    %add3A = vector.broadcast %get3A_18 : vector<1x2048xf32> to vector<256x2048xf32>
    %add3A_19 = arith.addf %mul3A_13, %add3A : vector<256x2048xf32>
    %reduce_max3A = arith.constant dense<0xFF800000> : vector<256xf32>
    %reduce_max3A_20 = vector.multi_reduction <maximumf>, %add3A_19, %reduce_max3A [1] : vector<256x2048xf32> to vector<256xf32>
    %broadcast_in_dim3A = vector.shape_cast %reduce_max3A_20 : vector<256xf32> to vector<256x1xf32>
    %sub3A = vector.broadcast %broadcast_in_dim3A : vector<256x1xf32> to vector<256x2048xf32>
    %sub3A_21 = arith.subf %add3A_19, %sub3A : vector<256x2048xf32>
    %exp3A = math.exp %sub3A_21 : vector<256x2048xf32>
    %reduce_sum3A = arith.constant dense<0.000000e+00> : vector<256xf32>
    %reduce_sum3A_22 = vector.multi_reduction <add>, %exp3A, %reduce_sum3A [1] : vector<256x2048xf32> to vector<256xf32>
    %broadcast_in_dim3A_23 = vector.shape_cast %reduce_sum3A_22 : vector<256xf32> to vector<256x1xf32>
    %div3A = vector.broadcast %broadcast_in_dim3A_23 : vector<256x1xf32> to vector<256x2048xf32>
    %div3A_24 = arith.divf %exp3A, %div3A : vector<256x2048xf32>
    %get3A_25 = arith.constant 0 : index
    %get3A_26 = arith.constant 0 : index
    %get3A_27 = arith.constant 0 : index
    %get3A_28 = arith.constant 0 : index
    %get3A_29 = vector.load %arg4[%get3A_25, %get3A_26, %get3A_27, %get3A_28] : memref<1x1x2048x32xf32, #tpu.memory_space<vmem>>, vector<1x1x2048x32xf32>
    %get3A_30 = vector.shape_cast %get3A_29 : vector<1x1x2048x32xf32> to vector<2048x32xf32>
    %dot_general3A_31 = arith.constant dense<0.000000e+00> : vector<256x32xf32>
    %dot_general3A_32 = tpu.matmul %div3A_24, %get3A_30, %dot_general3A_31 {dimension_numbers = #tpu.dot_dimension_numbers<[1], [0], [0], [1], [0, 0, 1, 1], [], []>, transpose_lhs_hint = false} : vector<256x2048xf32>, vector<2048x32xf32>, vector<256x32xf32> -> vector<256x32xf32>
    %swap3A = arith.constant 0 : index
    %swap3A_33 = arith.constant 0 : index
    %swap3A_34 = arith.constant 0 : index
    %swap3A_35 = arith.constant 0 : index
    %swap3A_36 = vector.load %arg6[%swap3A, %swap3A_33, %swap3A_34, %swap3A_35] : memref<1x1x256x32xf32, #tpu.memory_space<vmem>>, vector<1x1x256x32xf32>
    %swap3A_37 = vector.shape_cast %swap3A_36 : vector<1x1x256x32xf32> to vector<256x32xf32>
    %swap3A_38 = vector.shape_cast %dot_general3A_32 : vector<256x32xf32> to vector<1x1x256x32xf32>
    tpu.vector_store %arg6[%swap3A, %swap3A_33, %swap3A_34, %swap3A_35], %swap3A_38 {strides = array<i32>} : memref<1x1x256x32xf32, #tpu.memory_space<vmem>>, vector<1x1x256x32xf32>,
    return
  }
  func.func @transform_0(%arg0: i32, %arg1: i32) -> (i32, i32, i32, i32) {
    %c0_i32 = arith.constant 0 : i32
    %c0_i32_0 = arith.constant 0 : i32
    %c0_i32_1 = arith.constant 0 : i32
    return %arg0, %arg1, %c0_i32, %c0_i32_0 : i32, i32, i32, i32
  }
  func.func @transform_1(%arg0: i32, %arg1: i32) -> (i32, i32, i32, i32) {
    %c0_i32 = arith.constant 0 : i32
    %c0_i32_0 = arith.constant 0 : i32
    %c0_i32_1 = arith.constant 0 : i32
    return %arg0, %arg1, %c0_i32, %c0_i32_0 : i32, i32, i32, i32
  }
  func.func @transform_2(%arg0: i32, %arg1: i32) -> (i32, i32, i32, i32) {
    %c0_i32 = arith.constant 0 : i32
    %c0_i32_0 = arith.constant 0 : i32
    %c0_i32_1 = arith.constant 0 : i32
    return %arg0, %arg1, %c0_i32, %c0_i32_0 : i32, i32, i32, i32
  }
  func.func @transform_3(%arg0: i32, %arg1: i32) -> (i32, i32, i32) {
    %c0_i32 = arith.constant 0 : i32
    %c0_i32_0 = arith.constant 0 : i32
    %c0_i32_1 = arith.constant 0 : i32
    return %arg0, %c0_i32, %c0_i32_0 : i32, i32, i32
  }
  func.func @transform_4(%arg0: i32, %arg1: i32) -> (i32, i32, i32, i32) {
    %c0_i32 = arith.constant 0 : i32
    %c0_i32_0 = arith.constant 0 : i32
    %c0_i32_1 = arith.constant 0 : i32
    return %arg0, %arg1, %c0_i32, %c0_i32_0 : i32, i32, i32, i32
  }
}

module attributes {stable_mosaic.version = 14 : i64} {
  func.func @_epi_kernel(%arg0: i32, %arg1: memref<1x256x192xf32, #tpu.memory_space<vmem>>, %arg2: memref<1x256x192xf32, #tpu.memory_space<vmem>>, %arg3: memref<192x192xf32, #tpu.memory_space<vmem>>, %arg4: memref<192xf32, #tpu.memory_space<vmem>>, %arg5: memref<192xf32, #tpu.memory_space<vmem>>, %arg6: memref<192xf32, #tpu.memory_space<vmem>>, %arg7: memref<192x768xf32, #tpu.memory_space<vmem>>, %arg8: memref<768xf32, #tpu.memory_space<vmem>>, %arg9: memref<768x192xf32, #tpu.memory_space<vmem>>, %arg10: memref<192xf32, #tpu.memory_space<vmem>>, %arg11: memref<1x256x192xf32, #tpu.memory_space<vmem>>) attributes {dimension_semantics = [#tpu.dimension_semantics<arbitrary>], iteration_bounds = array<i64: 8>, scalar_prefetch = 0 : i64, scratch_operands = 0 : i64, tpu.core_type = #tpu.core_type<tc>, window_params = [{transform_indices = @transform_0, window_bounds = array<i64: 1, 256, 192>}, {transform_indices = @transform_1, window_bounds = array<i64: 1, 256, 192>}, {pipeline_mode = #tpu.pipeline_mode<synchronous>, transform_indices = @transform_2, window_bounds = array<i64: 192, 192>}, {pipeline_mode = #tpu.pipeline_mode<synchronous>, transform_indices = @transform_3, window_bounds = array<i64: 192>}, {pipeline_mode = #tpu.pipeline_mode<synchronous>, transform_indices = @transform_4, window_bounds = array<i64: 192>}, {pipeline_mode = #tpu.pipeline_mode<synchronous>, transform_indices = @transform_5, window_bounds = array<i64: 192>}, {pipeline_mode = #tpu.pipeline_mode<synchronous>, transform_indices = @transform_6, window_bounds = array<i64: 192, 768>}, {pipeline_mode = #tpu.pipeline_mode<synchronous>, transform_indices = @transform_7, window_bounds = array<i64: 768>}, {pipeline_mode = #tpu.pipeline_mode<synchronous>, transform_indices = @transform_8, window_bounds = array<i64: 768, 192>}, {pipeline_mode = #tpu.pipeline_mode<synchronous>, transform_indices = @transform_9, window_bounds = array<i64: 192>}, {transform_indices = @transform_10, window_bounds = array<i64: 1, 256, 192>}]} {
    %get3A = arith.constant 0 : index
    %get3A_0 = arith.constant 0 : index
    %get3A_1 = arith.constant 0 : index
    %get3A_2 = vector.load %arg2[%get3A, %get3A_0, %get3A_1] : memref<1x256x192xf32, #tpu.memory_space<vmem>>, vector<1x256x192xf32>
    %get3A_3 = vector.shape_cast %get3A_2 : vector<1x256x192xf32> to vector<256x192xf32>
    %get3A_4 = arith.constant 0 : index
    %get3A_5 = arith.constant 0 : index
    %get3A_6 = vector.load %arg3[%get3A_4, %get3A_5] : memref<192x192xf32, #tpu.memory_space<vmem>>, vector<192x192xf32>
    %dot_general3A = arith.constant dense<0.000000e+00> : vector<256x192xf32>
    %dot_general3A_7 = tpu.matmul %get3A_3, %get3A_6, %dot_general3A {dimension_numbers = #tpu.dot_dimension_numbers<[1], [0], [0], [1], [0, 0, 1, 1], [], []>, transpose_lhs_hint = false} : vector<256x192xf32>, vector<192x192xf32>, vector<256x192xf32> -> vector<256x192xf32>
    %get3A_8 = arith.constant 0 : index
    %get3A_9 = vector.load %arg4[%get3A_8] : memref<192xf32, #tpu.memory_space<vmem>>, vector<192xf32>
    %broadcast_in_dim3A = vector.shape_cast %get3A_9 : vector<192xf32> to vector<1x192xf32>
    %add3A = vector.broadcast %broadcast_in_dim3A : vector<1x192xf32> to vector<256x192xf32>
    %add3A_10 = arith.addf %dot_general3A_7, %add3A : vector<256x192xf32>
    %get3A_11 = arith.constant 0 : index
    %get3A_12 = arith.constant 0 : index
    %get3A_13 = arith.constant 0 : index
    %get3A_14 = vector.load %arg1[%get3A_11, %get3A_12, %get3A_13] : memref<1x256x192xf32, #tpu.memory_space<vmem>>, vector<1x256x192xf32>
    %get3A_15 = vector.shape_cast %get3A_14 : vector<1x256x192xf32> to vector<256x192xf32>
    %add3A_16 = arith.addf %get3A_15, %add3A_10 : vector<256x192xf32>
    %get3A_17 = arith.constant 0 : index
    %get3A_18 = vector.load %arg5[%get3A_17] : memref<192xf32, #tpu.memory_space<vmem>>, vector<192xf32>
    %get3A_19 = arith.constant 0 : index
    %get3A_20 = vector.load %arg6[%get3A_19] : memref<192xf32, #tpu.memory_space<vmem>>, vector<192xf32>
    %reduce_sum3A = arith.constant dense<0.000000e+00> : vector<256xf32>
    %reduce_sum3A_21 = vector.multi_reduction <add>, %add3A_16, %reduce_sum3A [1] : vector<256x192xf32> to vector<256xf32>
    %broadcast_in_dim3A_22 = vector.shape_cast %reduce_sum3A_21 : vector<256xf32> to vector<256x1xf32>
    %div3A = arith.constant 1.920000e+02 : f32
    %div3A_23 = vector.broadcast %div3A : f32 to vector<256x1xf32>
    %div3A_24 = arith.divf %broadcast_in_dim3A_22, %div3A_23 : vector<256x1xf32>
    %sub3A = vector.broadcast %div3A_24 : vector<256x1xf32> to vector<256x192xf32>
    %sub3A_25 = arith.subf %add3A_16, %sub3A : vector<256x192xf32>
    %integer_pow3A = arith.mulf %sub3A_25, %sub3A_25 : vector<256x192xf32>
    %reduce_sum3A_26 = arith.constant dense<0.000000e+00> : vector<256xf32>
    %reduce_sum3A_27 = vector.multi_reduction <add>, %integer_pow3A, %reduce_sum3A_26 [1] : vector<256x192xf32> to vector<256xf32>
    %broadcast_in_dim3A_28 = vector.shape_cast %reduce_sum3A_27 : vector<256xf32> to vector<256x1xf32>
    %div3A_29 = arith.constant 1.920000e+02 : f32
    %div3A_30 = vector.broadcast %div3A_29 : f32 to vector<256x1xf32>
    %div3A_31 = arith.divf %broadcast_in_dim3A_28, %div3A_30 : vector<256x1xf32>
    %sub3A_32 = vector.broadcast %div3A_24 : vector<256x1xf32> to vector<256x192xf32>
    %sub3A_33 = arith.subf %add3A_16, %sub3A_32 : vector<256x192xf32>
    %add3A_34 = arith.constant 9.99999974E-6 : f32
    %add3A_35 = vector.broadcast %add3A_34 : f32 to vector<256x1xf32>
    %add3A_36 = arith.addf %div3A_31, %add3A_35 : vector<256x1xf32>
    %sqrt3A = math.sqrt %add3A_36 : vector<256x1xf32>
    %div3A_37 = vector.broadcast %sqrt3A : vector<256x1xf32> to vector<256x192xf32>
    %div3A_38 = arith.divf %sub3A_33, %div3A_37 : vector<256x192xf32>
    %broadcast_in_dim3A_39 = vector.shape_cast %get3A_18 : vector<192xf32> to vector<1x192xf32>
    %mul3A = vector.broadcast %broadcast_in_dim3A_39 : vector<1x192xf32> to vector<256x192xf32>
    %mul3A_40 = arith.mulf %div3A_38, %mul3A : vector<256x192xf32>
    %broadcast_in_dim3A_41 = vector.shape_cast %get3A_20 : vector<192xf32> to vector<1x192xf32>
    %add3A_42 = vector.broadcast %broadcast_in_dim3A_41 : vector<1x192xf32> to vector<256x192xf32>
    %add3A_43 = arith.addf %mul3A_40, %add3A_42 : vector<256x192xf32>
    %get3A_44 = arith.constant 0 : index
    %get3A_45 = arith.constant 0 : index
    %get3A_46 = vector.load %arg7[%get3A_44, %get3A_45] : memref<192x768xf32, #tpu.memory_space<vmem>>, vector<192x768xf32>
    %dot_general3A_47 = arith.constant dense<0.000000e+00> : vector<256x768xf32>
    %dot_general3A_48 = tpu.matmul %add3A_43, %get3A_46, %dot_general3A_47 {dimension_numbers = #tpu.dot_dimension_numbers<[1], [0], [0], [1], [0, 0, 1, 1], [], []>, transpose_lhs_hint = false} : vector<256x192xf32>, vector<192x768xf32>, vector<256x768xf32> -> vector<256x768xf32>
    %get3A_49 = arith.constant 0 : index
    %get3A_50 = vector.load %arg8[%get3A_49] : memref<768xf32, #tpu.memory_space<vmem>>, vector<768xf32>
    %broadcast_in_dim3A_51 = vector.shape_cast %get3A_50 : vector<768xf32> to vector<1x768xf32>
    %add3A_52 = vector.broadcast %broadcast_in_dim3A_51 : vector<1x768xf32> to vector<256x768xf32>
    %add3A_53 = arith.addf %dot_general3A_48, %add3A_52 : vector<256x768xf32>
    %mul3A_54 = arith.constant 5.000000e-01 : f32
    %mul3A_55 = vector.broadcast %mul3A_54 : f32 to vector<256x768xf32>
    %mul3A_56 = arith.mulf %add3A_53, %mul3A_55 : vector<256x768xf32>
    %mul3A_57 = arith.constant 0.707106769 : f32
    %mul3A_58 = vector.broadcast %mul3A_57 : f32 to vector<256x768xf32>
    %mul3A_59 = arith.mulf %add3A_53, %mul3A_58 : vector<256x768xf32>
    %erf3A = math.erf %mul3A_59 : vector<256x768xf32>
    %add3A_60 = arith.constant 1.000000e+00 : f32
    %add3A_61 = vector.broadcast %add3A_60 : f32 to vector<256x768xf32>
    %add3A_62 = arith.addf %add3A_61, %erf3A : vector<256x768xf32>
    %mul3A_63 = arith.mulf %mul3A_56, %add3A_62 : vector<256x768xf32>
    %get3A_64 = arith.constant 0 : index
    %get3A_65 = arith.constant 0 : index
    %get3A_66 = vector.load %arg9[%get3A_64, %get3A_65] : memref<768x192xf32, #tpu.memory_space<vmem>>, vector<768x192xf32>
    %dot_general3A_67 = arith.constant dense<0.000000e+00> : vector<256x192xf32>
    %dot_general3A_68 = tpu.matmul %mul3A_63, %get3A_66, %dot_general3A_67 {dimension_numbers = #tpu.dot_dimension_numbers<[1], [0], [0], [1], [0, 0, 1, 1], [], []>, transpose_lhs_hint = false} : vector<256x768xf32>, vector<768x192xf32>, vector<256x192xf32> -> vector<256x192xf32>
    %add3A_69 = arith.addf %add3A_16, %dot_general3A_68 : vector<256x192xf32>
    %get3A_70 = arith.constant 0 : index
    %get3A_71 = vector.load %arg10[%get3A_70] : memref<192xf32, #tpu.memory_space<vmem>>, vector<192xf32>
    %broadcast_in_dim3A_72 = vector.shape_cast %get3A_71 : vector<192xf32> to vector<1x192xf32>
    %add3A_73 = vector.broadcast %broadcast_in_dim3A_72 : vector<1x192xf32> to vector<256x192xf32>
    %add3A_74 = arith.addf %add3A_69, %add3A_73 : vector<256x192xf32>
    %swap3A = arith.constant 0 : index
    %swap3A_75 = arith.constant 0 : index
    %swap3A_76 = arith.constant 0 : index
    %swap3A_77 = vector.load %arg11[%swap3A, %swap3A_75, %swap3A_76] : memref<1x256x192xf32, #tpu.memory_space<vmem>>, vector<1x256x192xf32>
    %swap3A_78 = vector.shape_cast %swap3A_77 : vector<1x256x192xf32> to vector<256x192xf32>
    %swap3A_79 = vector.shape_cast %add3A_74 : vector<256x192xf32> to vector<1x256x192xf32>
    tpu.vector_store %arg11[%swap3A, %swap3A_75, %swap3A_76], %swap3A_79 {strides = array<i32>} : memref<1x256x192xf32, #tpu.memory_space<vmem>>, vector<1x256x192xf32>,
    return
  }
  func.func @transform_0(%arg0: i32) -> (i32, i32, i32) {
    %c0_i32 = arith.constant 0 : i32
    %c0_i32_0 = arith.constant 0 : i32
    %c0_i32_1 = arith.constant 0 : i32
    return %arg0, %c0_i32, %c0_i32_0 : i32, i32, i32
  }
  func.func @transform_1(%arg0: i32) -> (i32, i32, i32) {
    %c0_i32 = arith.constant 0 : i32
    %c0_i32_0 = arith.constant 0 : i32
    %c0_i32_1 = arith.constant 0 : i32
    return %arg0, %c0_i32, %c0_i32_0 : i32, i32, i32
  }
  func.func @transform_2(%arg0: i32) -> (i32, i32) {
    %c0_i32 = arith.constant 0 : i32
    %c0_i32_0 = arith.constant 0 : i32
    %c0_i32_1 = arith.constant 0 : i32
    return %c0_i32, %c0_i32_0 : i32, i32
  }
  func.func @transform_3(%arg0: i32) -> i32 {
    %c0_i32 = arith.constant 0 : i32
    %c0_i32_0 = arith.constant 0 : i32
    return %c0_i32 : i32
  }
  func.func @transform_4(%arg0: i32) -> i32 {
    %c0_i32 = arith.constant 0 : i32
    %c0_i32_0 = arith.constant 0 : i32
    return %c0_i32 : i32
  }
  func.func @transform_5(%arg0: i32) -> i32 {
    %c0_i32 = arith.constant 0 : i32
    %c0_i32_0 = arith.constant 0 : i32
    return %c0_i32 : i32
  }
  func.func @transform_6(%arg0: i32) -> (i32, i32) {
    %c0_i32 = arith.constant 0 : i32
    %c0_i32_0 = arith.constant 0 : i32
    %c0_i32_1 = arith.constant 0 : i32
    return %c0_i32, %c0_i32_0 : i32, i32
  }
  func.func @transform_7(%arg0: i32) -> i32 {
    %c0_i32 = arith.constant 0 : i32
    %c0_i32_0 = arith.constant 0 : i32
    return %c0_i32 : i32
  }
  func.func @transform_8(%arg0: i32) -> (i32, i32) {
    %c0_i32 = arith.constant 0 : i32
    %c0_i32_0 = arith.constant 0 : i32
    %c0_i32_1 = arith.constant 0 : i32
    return %c0_i32, %c0_i32_0 : i32, i32
  }
  func.func @transform_9(%arg0: i32) -> i32 {
    %c0_i32 = arith.constant 0 : i32
    %c0_i32_0 = arith.constant 0 : i32
    return %c0_i32 : i32
  }
  func.func @transform_10(%arg0: i32) -> (i32, i32, i32) {
    %c0_i32 = arith.constant 0 : i32
    %c0_i32_0 = arith.constant 0 : i32
    %c0_i32_1 = arith.constant 0 : i32
    return %arg0, %c0_i32, %c0_i32_0 : i32, i32, i32
  }
}

</mosaic_0001>

<sc_bundles>
// kernel: gather_offload_async_start
scs
__scs_entry_jumppad:
0x0: {  	(pc) =	sbr.rel $0x88, $3  }
0x1: {  	(tag) =	ssettag $0x0;
	lr =	simm.s32 $0x1  }
0x2: {  	[smem:$0x3F90] =	sst lr;
	_ =	strace $0xD0000000  }
0x3: {  	_ = 	snop  }
0x4: {  	_ = 	snop  }
0x5: {  	_ = 	snop  }
0x6: {  	_ = 	snop  }
0x7: {  	_ = 	snop  }
__scs_overlays_trampoline_lowered:
0x8: {  	[smem:$0x3F9F] =	sst s0  }
0x9: {  	[smem:$0x3FA0] =	sst s1  }
0xa: {  	[smem:$0x3FA1] =	sst s2  }
0xb: {  	[smem:$0x3FA2] =	sst s3  }
0xc: {  	[smem:$0x3FA3] =	sst s4  }
0xd: {  	[smem:$0x3FA4] =	sst s5  }
0xe: {  	[smem:$0x3FA5] =	sst s6  }
0xf: {  	[smem:$0x3FA6] =	sst s7  }
0x10: {  	[smem:$0x3FA7] =	sst s8  }
0x11: {  	[smem:$0x3FA8] =	sst s9;
	s0 =	simm.s32 @!p0 $0x0  }
0x12: {  	s1 =	sld [smem:$0x3F8E];
	s0 =	simm.s32 @p0 $0x1  }
0x13: {  	[smem:$0x3FA9] =	sst s0;
	s0 =	simm.s32 @!p1 $0x0  }
0x14: {  	s2 =	sld [smem:$0x3F8D];
	s0 =	simm.s32 @p1 $0x1  }
0x15: {  	[smem:$0x3FAA] =	sst s0;
	s0 =	simm.s32 @!p2 $0x0  }
0x16: {  	s3 =	sld [smem:$0x3FDB];
	s0 =	simm.s32 @p2 $0x1  }
0x17: {  	s4 =	simm.s32 $0x1BF5;
	[smem:$0x3FAC] =	sst s0  }
0x18: {  	s0 =	sld [smem:$0x3F8F];
	_ =	swait.ge [sflag:s4], $0x0  }
0x19: {  	s7 =	sld [smem:$0x3F90]  }
0x1a: {  	s8 =	sadd.s32 $0xFFFFE003, lr  }
0x1b: {  	s9 =	sadd.s32 $0xFFFFFEF7, lr;
	s5 =	simm.s32 $0xFFFFFFFF;
	p2 =	slt.u32 s8, $0xFFFFF086  }
0x1c: {  	p1 =	slt.u32 s9, $0xF7A;
	s5 =	simm.s32 @!p2 $0x0  }
0x1d: {  	s5 =	simm.s32 @p1 $0x1;
	p0 =	seq.s32 s7, s2  }
0x1e: {  	s7 =	smul.u32 @!p0 $0xF7A, s2;
	p2 =	seq.s32 @!p0 s5, $0x0  }
0x1f: {  	s9 =	smul.u32 $0xF7A, s1;
	s8 =	simm.s32 @!p0 $0x1BF5;
	p2 =	por !p2, p0  }
0x20: {  	[sflag:s8] =	ssyncset.s32 @!p0 $0xFFFFF086;
	s6 =	sadd.s32 @!p0 s3, s7;
	s7 =	simm.s32 @!p0 $0x108  }
0x21: {  	s3 =	sadd.s32 s3, s9;
	s6 =	sadd.s32 @!p0 $0x88, s6;
	s7 =	simm.s32 @p2 $0x1082  }
0x22: {  	[simem:s7], [sflag:s8] =	dma.local @!p0 [hbm:s6], $0xF7A  }
0x23: {  	s9 =	sor.u32 $0xD0000000, s2;
	s6 =	simm.s32 $0x108;
	_ =	swait.ge @!p0 [sflag:s8], $0x0  }
0x24: {  	s3 =	sadd.s32 $0x88, s3;
	s6 =	simm.s32 @!p1 $0x1082;
	[sflag:s4] =	ssyncset.s32 $0xFFFFF086  }
0x25: {  	[simem:s6], [sflag:s4] =	dma.local [hbm:s3], $0xF7A  }
0x26: {  	[smem:$0x3F90] =	sst s1;
	(tag) =	ssettag s2;
	_ =	strace s9  }
0x27: {  	s1 =	sld [smem:$0x3FA0]  }
0x28: {  	s2 =	sld [smem:$0x3FA1]  }
0x29: {  	s4 =	sld [smem:$0x3FA3]  }
0x2a: {  	p0 =	seq.s32 s5, $0x0;
	s5 =	sld [smem:$0x3FA4]  }
0x2b: {  	s6 =	sld [smem:$0x3FA5]  }
0x2c: {  	s7 =	sld [smem:$0x3FA6]  }
0x2d: {  	s3 =	simm.s32 $0x108;
	s8 =	sld [smem:$0x3FA7]  }
0x2e: {  	s3 =	simm.s32 @!p0 $0x1082;
	s9 =	sld [smem:$0x3FA8]  }
0x2f: {  	lr =	sadd.s32 s0, s3;
	s0 =	sld [smem:$0x3F9F]  }
0x30: {  	s3 =	sld [smem:$0x3FA2]  }
0x31: {  	[smem:$0x3FAB] =	sst s10  }
0x32: {  	s10 =	sld [smem:$0x3FA9];
	_ =	sdelay $0x3  }
0x33: {  	p0 =	seq.s32 s10, $0x1;
	s10 =	sld [smem:$0x3FAB];
	_ =	sdelay $0x3  }
0x34: {  	[smem:$0x3FAB] =	sst s10  }
0x35: {  	s10 =	sld [smem:$0x3FAA];
	_ =	sdelay $0x3  }
0x36: {  	p1 =	seq.s32 s10, $0x1;
	s10 =	sld [smem:$0x3FAB];
	_ =	sdelay $0x3  }
0x37: {  	[smem:$0x3FAB] =	sst s10  }
0x38: {  	s10 =	sld [smem:$0x3FAC]  }
0x39: {  	_ = 	snop;
	(pc) =	sbr.ind lr, $3  }
0x3a: {  	_ = 	snop  }
0x3b: {  	_ = 	snop  }
0x3c: {  	p2 =	seq.s32 s10, $0x1;
	s10 =	sld [smem:$0x3FAB]  }
0x3d: {  	_ =	shalt  }
0x3e: {  	_ =	shalt  }
0x3f: {  	_ =	shalt  }
0x40: {  	_ =	shalt  }
0x41: {  	_ =	shalt  }
0x42: {  	_ =	shalt  }
0x43: {  	_ =	shalt  }
0x44: {  	_ =	shalt  }
0x45: {  	_ =	shalt  }
0x46: {  	_ =	shalt  }
0x47: {  	_ =	shalt  }
0x48: {  	_ =	shalt  }
0x49: {  	_ =	shalt  }
0x4a: {  	_ =	shalt  }
0x4b: {  	_ =	shalt  }
0x4c: {  	_ =	shalt  }
0x4d: {  	_ =	shalt  }
0x4e: {  	_ =	shalt  }
0x4f: {  	_ =	shalt  }
0x50: {  	_ =	shalt  }
0x51: {  	_ =	shalt  }
0x52: {  	_ =	shalt  }
0x53: {  	_ =	shalt  }
0x54: {  	_ =	shalt  }
0x55: {  	_ =	shalt  }
0x56: {  	_ =	shalt  }
0x57: {  	_ =	shalt  }
0x58: {  	_ =	shalt  }
0x59: {  	_ =	shalt  }
0x5a: {  	_ =	shalt  }
0x5b: {  	_ =	shalt  }
0x5c: {  	_ =	shalt  }
0x5d: {  	_ =	shalt  }
0x5e: {  	_ =	shalt  }
0x5f: {  	_ =	shalt  }
0x60: {  	_ =	shalt  }
0x61: {  	_ =	shalt  }
0x62: {  	_ =	shalt  }
0x63: {  	_ =	shalt  }
0x64: {  	_ =	shalt  }
0x65: {  	_ =	shalt  }
0x66: {  	_ =	shalt  }
0x67: {  	_ =	shalt  }
0x68: {  	_ =	shalt  }
0x69: {  	_ =	shalt  }
0x6a: {  	_ =	shalt  }
0x6b: {  	_ =	shalt  }
0x6c: {  	_ =	shalt  }
0x6d: {  	_ =	shalt  }
0x6e: {  	_ =	shalt  }
0x6f: {  	_ =	shalt  }
0x70: {  	_ =	shalt  }
0x71: {  	_ =	shalt  }
0x72: {  	_ =	shalt  }
0x73: {  	_ =	shalt  }
0x74: {  	_ =	shalt  }
0x75: {  	_ =	shalt  }
0x76: {  	_ =	shalt  }
0x77: {  	_ =	shalt  }
0x78: {  	_ =	shalt  }
0x79: {  	_ =	shalt  }
0x7a: {  	_ =	shalt  }
0x7b: {  	_ =	shalt  }
0x7c: {  	_ =	shalt  }
0x7d: {  	_ =	shalt  }
0x7e: {  	_ =	shalt  }
0x7f: {  	_ =	shalt  }
0x80: {  	_ =	shalt  }
0x81: {  	_ =	shalt  }
0x82: {  	_ =	shalt  }
0x83: {  	_ =	shalt  }
0x84: {  	_ =	shalt  }
0x85: {  	_ =	shalt  }
0x86: {  	_ =	shalt  }
0x87: {  	_ =	shalt  }
.Lfunc_end0:
.L_simem_size_0:
called_computation_lowered:
.L_overlay_start_0:
0x88: {  	s2 =	sld [smem:$0x3FD9]  }
0x89: {  	s3 =	sld [smem:$0x3FFE];
	_ =	sdelay $0x1  }
0x8a: {  	s1 =	srdreg.scid  }
0x8b: {  	s0 =	sand.u32 $0x1, s1  }
0x8c: {  	s16 =	sshll.u32 s0, $0xA;
	s2 =	sadd.s32 s3, s2  }
0x8d: {  	s2 =	sadd.s32 s2, s16  }
0x8e: {  	[smem:$0x3FB7] =	sst s2  }
0x8f: {  	_ = 	snop  }
0x90: {  	(tm) =	ssettm $0x1  }
0x91: {  	s17 =	sld [smem:$0x3FFB];
	_ =	sdelay $0x3  }
0x92: {  	_ =	strace s17  }
0x93: {  	s2 =	sld [smem:$0x3FFC];
	_ =	sdelay $0x3  }
0x94: {  	_ =	strace s2  }
0x95: {  	s2 =	sld [smem:$0x3FFD];
	_ =	sdelay $0x3  }
0x96: {  	_ =	strace s2  }
0x97: {  	_ =	strace $0x8FFFFFFF  }
0x98: {  	s18 =	sld [smem:$0x3FDB];
	_ =	sdelay $0x1  }
0x99: {  	s19 =	simm.s32 $_scs_section_size  }
0x9a: {  	s4 =	simm.s32 $_size__tile_overlayer_lowered;
	s5 =	simm.s32 $_tile_overlayer_lowered  }
0x9b: {  	s22 =	simm.s32 $0x1BFF;
	s21 =	sshll.u32 s5, $0x1;
	s2 =	sadd.s32 s19, s18  }
0x9c: {  	s6 =	simm.s32 $0x0;
	s20 =	sshll.u32 s4, $0x1;
	s4 =	sadd.s32 s21, s2  }
0x9d: {  	[timem:s6], [sflag:s22] =	dma.local [hbm:s4], s20  }
0x9e: {  	_ =	swait.ge [sflag:s22], s20  }
0x9f: {  	s3 =	ssub.s32 $0x0, s20;
	[sflag:s22] =	ssyncset.done $0x0  }
0xa0: {  	[sflag:s22] =	ssyncadd.s32 s3;
	_ =	sdelay $0x1  }
0xa1: {  	s23 =	simm.s32 $0x1B8B  }
0xa2: {  	_ =	swait.ge [sflag:s23], $0x1  }
0xa3: {  	[sflag:s23] =	ssyncset.done $0x0  }
0xa4: {  	s25 =	simm.s32 $0x1B8E;
	s24 =	sld [smem:$0x3FFE];
	[sflag:s23] =	ssyncadd.s32 $0xFFFFFFFF  }
0xa5: {  	s26 =	simm.s32 $execute0_lowered;
	[smem:$0x3FD2] =	sst s25  }
0xa6: {  	s4 =	sshll.u32 s26, $0x1;
	_ =	strace $0x80000046;
	[dreg:$0x1] =	wrdreg $0xFFFFFFFF  }
0xa7: {  	s28 =	simm.s32 $_size_execute0_lowered;
	s2 =	sadd.s32 s2, s4;
	[dreg:$0x0] =	wrdreg $0x0  }
0xa8: {  	s4 =	sshll.u32 s28, $0x1;
	[dreg:$0x2] =	wrdreg s2  }
0xa9: {  	[dreg:$0x3] =	wrdreg s4  }
0xaa: {  	[dreg:$0x4] =	wrdreg $0xC0  }
0xab: {  	_ =	task [dreg:s6], $0x5FFFF  }
0xac: {  	[dreg:$0x1] =	wrdreg $0xFFFFFFFF  }
0xad: {  	[dreg:$0x0] =	wrdreg $0x60  }
0xae: {  	[dreg:$0x2] =	wrdreg s24  }
0xaf: {  	[dreg:$0x3] =	wrdreg $0x9  }
0xb0: {  	_ =	task.clear_ibuf [dreg:s6], $0x4FFFF;
	_ =	strace $0x90000046  }
0xb1: {  	s29 =	simm.s32 $0x9;
	_ =	strace $0x80000048  }
0xb2: {  	_ =	swait.ge [sflag:s29], $0x1  }
0xb3: {  	[sflag:s29] =	ssyncadd.s32 $0xFFFFFFFF  }
0xb4: {  	_ =	strace $0x90000048  }
0xb5: {  	_ =	sfence  }
0xb6: {  	s30 =	sld [smem:$0x0];
	_ =	sdelay $0x2  }
0xb7: {  	s31 =	sshll.u32 s1, $0xD;
	s1 =	sshrl.u32 s1, $0x2  }
0xb8: {  	s3 =	sand.u32 $0x4000, s31;
	s1 =	sadd.s32 s1, s30  }
0xb9: {  	s0 =	sor.u32 s3, s0;
	s1 =	sshll.u32 s1, $0x11  }
0xba: {  	s0 =	sor.u32 s1, s0  }
0xbb: {  	s0 =	sadd.s32 $0x8F2B, s0  }
0xbc: {  	[sflag:s0] =	ssyncadd.remote.s32 $0x1  }
0xbd: {  	_ =	sfence.sel $0xFFFF  }
0xbe: {  	[dreg:$0x0] =	wrdreg $0xFFFFFFFF;
	(pc) =	sbr.abs _section_cstart, $3  }
0xbf: {  	[dreg:$0x1] =	wrdreg $0xFFFFFFFF  }
0xc0: {  	_ =	task.clear_ibuf [dreg:s6], $0x2FFFF;
	_ =	strace $0x9FFFFFFF  }
0xc1: {  	(tm) =	ssettm $0x7FFFFFFF  }
tec
execute0_lowered:
.L_overlay_start_1:
0x0: {  	(tag) =	ssettag $0x1  }
0x1: {  	s7 =	rddreg [dreg:$0x0]  }
0x2: {  	s0 =	rddreg [dreg:$0x1];
	_ =	strace $0x80000047  }
0x3: {  	s1 =	srdreg.scid;
	s4 =	simm.s32 $0x1;
	s9 =	simm.s32 $0x3  }
0x4: {  	s11 =	simm.s32 $0x0;
	p0 =	por $0x0, $0x0;
	s5 =	sshll.u32 s1, $0x4  }
.Ltmp0:
0x5: {  	s1 =	stileid.u32;
	s5 =	sand.u32 $0x10, s5;
	(pc) =	sbr.rel .LBB2_1-.Ltmp0, $4  }
0x6: {  	s2 =	sadd.s32 $0x80600, s7;
	s3 =	sadd.s32 $0x480E00, s7;
	s6 =	sor.u32 s1, s5  }
0x7: {  	[sflag:s4] =	ssyncpa.u1 $0x0;
	s5 =	simm.s32 $0x2;
	s6 =	sshll.u32 s6, $0x6  }
0x8: {  	s7 =	sadd.s32 $0x5C1000, s7;
	[sflag:s5] =	ssyncpa.u1 $0x0;
	s8 =	sadd.s32 $0x40, s6  }
0x9: {  	vm0 =	vmmov $0xff;
	vm1 =	vcmask $0x3F20;
	[sflag:s9] =	ssyncpa.u1 $0x0;
	s10 =	smov.u32 s6;
	s9 =	simm.s32 $0x0  }
.LBB2_5:
0xa: {  	p1 =	slt.u32 s9, $0x2;
	s11 =	sadd.s32 $0x10, s10  }
0xb: {  	s13 =	smov.u32 s6;
	s9 =	sadd.s32 $0x1, s9;
	p2 =	slt.s32 s11, s8  }
0xc: {  	s13 =	smov.u32 @p2 s11;
	p2 =	sne.s32 s9, $0x6  }
.Ltmp1:
0xd: {  	_ = 	snop;
	(pc) =	sbr.rel @!p2 .LBB2_6-.Ltmp1, $4  }
0xe: {  	s12 =	simm.s32 @!p1 $0x3  }
0xf: {  	_ =	swait.ge @!p1 [sflag:s12], $0x8000  }
0x10: {  	p0 =	por !p0, !p0;
	[sflag:s12] =	ssyncset.done @!p1 $0x0  }
0x11: {  	s11 =	smov.u32 s10;
	s10 =	smov.u32 s13;
	[sflag:s12] =	ssyncadd.s32 @!p1 $0xFFFF8000  }
.LBB2_1:
0x12: {  	p1 =	sgt.u32 s9, $0x3  }
0x13: {  	s12 =	sxor.u32 @!p1 $0xFFFFFFFF, s9  }
0x14: {  	s13 =	sshrl.u32 @!p1 s10, $0x3;
	s12 =	sshll.u32 @!p1 s12, $0x4  }
0x15: {  	s14 =	sand.u32 @!p1 $0x7, s10;
	s13 =	sadd.s32 @!p1 s3, s13;
	s12 =	sand.u32 @!p1 $0x10, s12  }
0x16: {  	[tilespmem:s12], [sflag:$0x2] =	stream.linear.gather @!p1 [hbm4b:s13+s14], $0x10, $0x38;
	[tilespmem:$0x10020] =	vst v63  }
0x17: {  	p1 =	seq.s32 s9, $0x0  }
0x18: {  	p2 =	seq.s32 @!p1 s9, $0x5  }
0x19: {  	p1 =	por p1, p2  }
.Ltmp2:
0x1a: {  	_ = 	snop;
	(pc) =	sbr.rel @p1 .LBB2_5-.Ltmp2, $1  }
0x1b: {  	_ =	sdelay $0x3  }
0x1c: {  	_ =	swait.ge [sflag:s5], $0x10  }
0x1d: {  	s12 =	sand.u32 $0x1, s9;
	[sflag:s5] =	ssyncset.done $0x0  }
0x1e: {  	s13 =	sshll.u32 s12, $0x4;
	[sflag:s5] =	ssyncadd.s32 $0xFFFFFFF0  }
0x1f: {  	v0 =	vld.msk [tilespmem:s13+$0x0 ss:$0x1], $0xffff;
	_ =	sdelay $0x4  }
0x20: {  	v1 =	vshrl.u32 v0, $0x3  }
0x21: {  	vm2 =	veq.s32 v0, $0x80000000;
	v1 =	vand.u32 $0x7FF, v1  }
0x22: {  	v0 =	vshll.u32 v0, $0x16;
	v1 =	vsel vm2, $0xFFFFFFFF, v1  }
0x23: {  	v0 =	vand.u32 $0x1C00000, v0;
	v2 =	vshll.u32 v1, $0xB  }
0x24: {  	v0 =	vsel vm2, $0xFFC00000, v0;
	v1 =	vshll.u32 v1, $0x7;
	v2 =	vand.u32 $0xFFFFC000, v2  }
0x25: {  	v1 =	vand.u32 $0x380, v1;
	v0 =	vadd.s32 v0, v2  }
0x26: {  	v0 =	vor.u32 v1, v0  }
0x27: {  	s13 =	simm.s32 $0x1;
	v0 =	vshrl.u32 v0, $0x3  }
0x28: {  	s13 =	simm.s32 @!p0 $0x0  }
0x29: {  	s13 =	sshll.u32 s13, $0xF  }
0x2a: {  	s14 =	sor.u32 $0x20, s13  }
0x2b: {  	s12 =	sshll.u32 s12, $0xF;
	s16 =	sadd.s32 $0x0, s14  }
0x2c: {  	[tilespmem:s16], [sflag:$0x1] =	stream.indirect_vreg.gather [hbm:s2], $0x80, v0, vm0, $0x38;
	[tilespmem:$0x10020] =	vst v63  }
0x2d: {  	s15 =	simm.s32 $0x1000;
	s13 =	sor.u32 $0x20, s12;
	v1 =	vadd.s32 $0x80, v0;
	s16 =	sadd.s32 $0x4000, s16  }
.LBB2_3:
0x2e: {  	[tilespmem:s16], [sflag:$0x1] =	stream.indirect_vreg.gather [hbm:s2], $0x80, v0, vm1, $0x38;
	[tilespmem:$0x10020] =	vst v63  }
0x2f: {  	v0 =	vmov v1;
	s16 =	smov.u32 s15;
	p1 =	sne.s32 s15, $0xF000  }
.Ltmp3:
0x30: {  	s15 =	sadd.s32 $0x1000, s15;
	(pc) =	sbr.rel @p1 .LBB2_3-.Ltmp3, $4  }
0x31: {  	s16 =	sshra.s32 s16, $0x2  }
0x32: {  	s16 =	sadd.s32 s16, s14  }
0x33: {  	[tilespmem:s16], [sflag:$0x1] =	stream.indirect_vreg.gather [hbm:s2], $0x80, v1, vm0, $0x38;
	[tilespmem:$0x10020] =	vst v63  }
0x34: {  	s16 =	sadd.s32 $0x4000, s16;
	v1 =	vadd.s32 $0x80, v1  }
0x35: {  	_ =	sdelay $0x3  }
0x36: {  	[tilespmem:s16], [sflag:$0x1] =	stream.indirect_vreg.gather [hbm:s2], $0x80, v0, vm1, $0x38;
	[tilespmem:$0x10020] =	vst v63  }
0x37: {  	s14 =	sshll.u32 s11, $0x4;
	s31 =	sshll.u32 s11, $0x8  }
0x38: {  	_ =	swait.ge [sflag:s4], $0x8000;
	s14 =	sand.u32 $0x70, s14;
	s11 =	sand.u32 $0xFFFFF800, s31  }
.Ltmp4:
0x39: {  	[sflag:s4] =	ssyncset.done $0x0;
	s14 =	sadd.s32 s7, s14;
	(pc) =	sbr.rel .LBB2_5-.Ltmp4, $4  }
0x3a: {  	[sflag:s4] =	ssyncadd.s32 $0xFFFF8000;
	s11 =	sadd.s32 s11, s14  }
0x3b: {  	[hbm:s11] =	stream.linear.scatter [tilespmem:s13], [sflag:$0x3], $0x4000, $0x38;
	[tilespmem:$0x10020] =	vst v63  }
0x3c: {  	s12 =	sadd.s32 $0x4020, s12;
	s11 =	sadd.s32 $0x800, s11  }
0x3d: {  	[hbm:s11] =	stream.linear.scatter [tilespmem:s12], [sflag:$0x3], $0x4000, $0x38;
	[tilespmem:$0x10020] =	vst v63  }
.LBB2_6:
0x3e: {  	_ =	sfence.sel $0x180000  }
0x3f: {  	s2 =	simm.s32 $0x2;
	[bflag:$0x0] =	sbarrier.arrive $0xFFFF  }
0x40: {  	s30 =	simm.s32 $0x3;
	[sflag:s2] =	ssyncpa.u1 $0x1  }
0x41: {  	s31 =	simm.s32 $0x1;
	[sflag:s30] =	ssyncpa.u1 $0x1  }
0x42: {  	[sflag:s31] =	ssyncpa.u1 $0x1  }
0x43: {  	p0 =	sne.s32 s1, $0x0;
	_ =	strace $0x90000047  }
0x44: {  	s0 =	sadd.s32 @!p0 $0x100000, s0;
	[bflag:$0x2] =	sbarrier.arrive $0xFFFF  }
0x45: {  	[sflag:s0] =	ssyncadd.tile.s32 @!p0 $0x1;
	_ =	shalt  }
.Lfunc_end2:
_tile_overlayer_lowered:
.L_overlay_start_2:
0x46: {  	(tag) =	ssettag $0x2  }
0x47: {  	s0 =	rddreg [dreg:$0x0];
	s2 =	stileid.u32  }
0x48: {  	s1 =	rddreg [dreg:$0x1];
	p0 =	sne.s32 s2, $0x0  }
0x49: {  	s3 =	rddreg [dreg:$0x2];
	[bflag:$0x3] =	sbarrier.arrive $0xFFFF;
	s2 =	simm.s32 @!p0 $0x1C01  }
0x4a: {  	[timem:s3], [sflag:s2] =	dma.local @!p0 [hbm:s0], s1  }
0x4b: {  	s0 =	simm.s32 @!p0 $0x1  }
0x4c: {  	_ =	swait.ge @!p0 [sflag:s0], s1  }
0x4d: {  	s1 =	ssub.s32 @!p0 $0x0, s1;
	[sflag:s0] =	ssyncset.done @!p0 $0x0  }
0x4e: {  	[sflag:s0] =	ssyncadd.s32 @!p0 s1  }
0x4f: {  	[bflag:$0x3] =	sbarrier.arrive $0xFFFF  }
0x50: {  	_ =	shalt  }

</sc_bundles>
